<compile_context>
chip_gen: v7x
topology: tpu7x:2x2x1
jax: 0.10.2.dev20260603
libtpu: 0.0.44.dev20260713+nightly
codegen_flags: <defaults>
</compile_context>

<pallas_src>
import dataclasses

import jax
import jax.numpy as jnp
from jax.experimental import pallas as pl
from jax.experimental.pallas import tpu as pltpu
from jax.experimental.pallas import tpu_sc as plsc

_NCLS = 40
_BLK = 4096
_FC = 20480


def _mlp_kernel(x_ref, W1_ref, b1_ref, W2_ref, b2_ref, W3_ref, b3_ref,
                logits_ref):
    x = x_ref[...]
    h = jnp.maximum(
        jnp.dot(x, W1_ref[...], preferred_element_type=jnp.float32)
        + b1_ref[...], 0.0)
    o = jnp.maximum(
        jnp.dot(h, W2_ref[...], preferred_element_type=jnp.float32)
        + b2_ref[...], 0.0)
    logits_ref[...] = (
        jnp.dot(o, W3_ref[...], preferred_element_type=jnp.float32)
        + b3_ref[...])


def _sc_segmean(cu_hbm, invc_hbm, flat_hbm, out_hbm, cu_vbuf,
                invc_vbuf, buf, accbuf, rowbuf, sem):
    c = jax.lax.axis_index("c")
    sj = jax.lax.axis_index("s")
    ncu = cu_hbm.shape[0]
    pltpu.async_copy(cu_hbm, cu_vbuf.at[pl.ds(0, ncu)], sem).wait()
    pltpu.async_copy(invc_hbm, invc_vbuf, sem).wait()

    s = cu_vbuf[pl.ds(sj, 16)][0]
    e = cu_vbuf[pl.ds(sj + 1, 16)][0]
    nrows = e - s
    halfr = (nrows + 1) // 2
    my_s = s + c * halfr
    my_e = jnp.minimum(e, my_s + halfr)
    lo = my_s * _NCLS
    hi = my_e * _NCLS
    nflat = hi - lo
    total = flat_hbm.shape[0]

    zeros = jnp.zeros((16,), jnp.float32)
    lane = jax.lax.iota(jnp.int32, 16)

    def fetch(off):
        pltpu.async_copy(flat_hbm.at[pl.ds(off, _FC)], buf, sem).wait()

    def accum_chunk(acc):
        def body(p, a):
            base = p * 80
            return tuple(a[v] + buf[pl.ds(base + v * 16, 16)]
                         for v in range(5))
        return jax.lax.fori_loop(0, _FC // 80, body, acc)

    def accum_masked(acc, off, lo_abs, hi_abs):
        def body(p, a):
            base = p * 80
            out = []
            for v in range(5):
                pos = off + base + v * 16 + lane
                m = (pos >= lo_abs) & (pos < hi_abs)
                val = buf[pl.ds(base + v * 16, 16)]
                out.append(a[v] + jnp.where(m, val, 0.0))
            return tuple(out)
        return jax.lax.fori_loop(0, _FC // 80, body, acc)

    acc = (zeros, zeros, zeros, zeros, zeros)
    nfull = nflat // _FC

    def main_body(k, a):
        fetch(lo + k * _FC)
        return accum_chunk(a)
    acc = jax.lax.fori_loop(0, nfull, main_body, acc)

    rem = nflat - nfull * _FC
    tail_lo = lo + nfull * _FC
    off = jnp.minimum(tail_lo, total - _FC)

    for v in range(5):
        accbuf[pl.ds(16 * v, 16)] = acc[v]

    @pl.when(rem > 0)
    def _():
        fetch(off)
        a = tuple(accbuf[pl.ds(16 * v, 16)] for v in range(5))
        a = accum_masked(a, off, tail_lo, hi)
        for v in range(5):
            accbuf[pl.ds(16 * v, 16)] = a[v]

    accbuf[pl.ds(80, 16)] = zeros

    inv = invc_vbuf[pl.ds(sj * 16, 16)]
    r0 = accbuf[pl.ds(0, 16)] + plsc.load_gather(accbuf, [lane + 40])
    r1 = accbuf[pl.ds(16, 16)] + plsc.load_gather(accbuf, [lane + 56])
    r2 = accbuf[pl.ds(32, 16)] + plsc.load_gather(accbuf, [lane + 72])
    rowbuf[pl.ds(0, 16)] = r0 * inv
    rowbuf[pl.ds(16, 16)] = r1 * inv
    rowbuf[pl.ds(32, 16)] = r2 * inv
    pltpu.async_copy(rowbuf, out_hbm.at[c, sj], sem).wait()


def kernel(x, cu_seqlens, W1, b1, W2, b2, W3, b3):
    N, D = x.shape
    H = W1.shape[1]
    E = W2.shape[1]
    B = cu_seqlens.shape[0] - 1

    counts = (cu_seqlens[1:] - cu_seqlens[:-1]).astype(jnp.float32)
    inv_rep = jnp.broadcast_to(
        (1.0 / jnp.maximum(counts, 1.0))[:, None], (B, 16)).reshape(-1)

    nb = N // _BLK
    full = lambda shape: pl.BlockSpec(shape, lambda i: (0, 0))

    logits = pl.pallas_call(
        _mlp_kernel,
        grid=(nb,),
        in_specs=[
            pl.BlockSpec((_BLK, D), lambda i: (i, 0)),
            full((D, H)),
            full((1, H)),
            full((H, E)),
            full((1, E)),
            full((E, _NCLS)),
            full((1, _NCLS)),
        ],
        out_specs=pl.BlockSpec((_BLK, _NCLS), lambda i: (i, 0)),
        out_shape=jax.ShapeDtypeStruct((N, _NCLS), jnp.float32),
        compiler_params=pltpu.CompilerParams(
            dimension_semantics=("arbitrary",)),
    )(x, W1, b1.reshape(1, H), W2, b2.reshape(1, E), W3, b3.reshape(1, _NCLS))

    sc_params = pltpu.CompilerParams()
    if "needs_layout_passes" in pltpu.CompilerParams.__dataclass_fields__:
        sc_params = dataclasses.replace(sc_params, needs_layout_passes=False)
    mesh = plsc.VectorSubcoreMesh(core_axis_name="c", subcore_axis_name="s")
    sc_out = pl.kernel(
        _sc_segmean,
        out_type=jax.ShapeDtypeStruct((2, B, 48), jnp.float32),
        mesh=mesh,
        scratch_types=[
            pltpu.VMEM((B + 16,), jnp.int32),
            pltpu.VMEM((B * 16,), jnp.float32),
            pltpu.VMEM((_FC,), jnp.float32),
            pltpu.VMEM((96,), jnp.float32),
            pltpu.VMEM((48,), jnp.float32),
            pltpu.SemaphoreType.DMA,
        ],
        compiler_params=sc_params,
    )(cu_seqlens, inv_rep, logits.reshape(-1))

    global_logits = sc_out[0, :, :_NCLS] + sc_out[1, :, :_NCLS]
    return (global_logits, logits)

# --- scband reference (transcript-rebuilt; emitter-appended) ---
"""Pipeline reference for scband-fully-supervised-90872918049450 (READ-ONLY COPY).

The authoritative reference and input builder live on the scoring server;
editing this copy changes nothing except your own understanding.
"""

import jax, jax.numpy as jnp
import numpy as np

NUM_CLASSES = 40

def setup_inputs(seed: int = 0) -> dict:
    key = jax.random.key(seed)
    ks = jax.random.split(key, 10)
    N, D, H, E, B = 16384, 256, 512, 256, 16
    x = jax.random.normal(ks[0], (N, D), dtype=jnp.float32)
    interior = jnp.sort(jax.random.randint(ks[1], (B - 1,), 0, N)).astype(jnp.int32)
    cu_seqlens = jnp.concatenate([jnp.array([0], dtype=jnp.int32), interior, jnp.array([N], dtype=jnp.int32)])
    W1 = jax.random.normal(ks[2], (D, H), dtype=jnp.float32) * (1.0 / np.sqrt(D))
    b1 = jnp.zeros((H,), dtype=jnp.float32)
    W2 = jax.random.normal(ks[3], (H, E), dtype=jnp.float32) * (1.0 / np.sqrt(H))
    b2 = jnp.zeros((E,), dtype=jnp.float32)
    W3 = jax.random.normal(ks[4], (E, NUM_CLASSES), dtype=jnp.float32) * (1.0 / np.sqrt(E))
    b3 = jnp.zeros((NUM_CLASSES,), dtype=jnp.float32)
    return {"x": x, "cu_seqlens": cu_seqlens, "W1": W1, "b1": b1, "W2": W2, "b2": b2, "W3": W3, "b3": b3}

def reference(x, cu_seqlens, W1, b1, W2, b2, W3, b3):
    # pc_encoder: pointwise MLP over the flat (ragged) token/point dimension
    h = jax.nn.relu(x @ W1 + b1)
    out_feats = jax.nn.relu(h @ W2 + b2)
    # self.linear: per-point logits
    logits = out_feats @ W3 + b3
    # per-batch-element mean over ragged segments defined by batch_offsets (cu_seqlens)
    N = x.shape[0]
    B = cu_seqlens.shape[0] - 1
    seg_ids = jnp.searchsorted(cu_seqlens, jnp.arange(N), side='right') - 1
    seg_ids = jnp.clip(seg_ids, 0, B - 1)
    sums = jax.ops.segment_sum(logits, seg_ids, num_segments=B)
    counts = (cu_seqlens[1:] - cu_seqlens[:-1]).astype(logits.dtype)
    counts = jnp.maximum(counts, 1.0)
    global_logits = sums / counts[:, None]
    return (global_logits, logits)

if __name__ == "__main__":
    import jax
    _d = setup_inputs()
    print(jax.jit(kernel)(*tuple(_d.values())))

</pallas_src>

<mosaic_0001>
#map = affine_map<(d0, d1) -> (0)>
#map1 = affine_map<(d0, d1) -> (0, 0, 0)>
module attributes {stable_mosaic.version = 14 : i64} {
  func.func @_sc_segmean(%arg0: i32, %arg1: i32, %arg2: memref<17xi32, #tpu.memory_space<hbm>>, %arg3: memref<256xf32, #tpu.memory_space<hbm>>, %arg4: memref<655360xf32, #tpu.memory_space<hbm>>, %arg5: memref<2x16x48xf32, #tpu.memory_space<hbm>>, %arg6: memref<32xi32, #tpu.memory_space<vmem>>, %arg7: memref<256xf32, #tpu.memory_space<vmem>>, %arg8: memref<20480xf32, #tpu.memory_space<vmem>>, %arg9: memref<96xf32, #tpu.memory_space<vmem>>, %arg10: memref<48xf32, #tpu.memory_space<vmem>>, %arg11: memref<!tpu.dma_semaphore, #tpu.memory_space<semaphore_mem>>) attributes {dimension_semantics = [#tpu.dimension_semantics<core_parallel>, #tpu.dimension_semantics<subcore_parallel>], iteration_bounds = array<i64: 2, 16>, scalar_prefetch = 0 : i64, scratch_operands = 6 : i64, tpu.core_type = #tpu.core_type<sc_vector_subcore>, window_params = [{transform_indices = #map}, {transform_indices = #map}, {transform_indices = #map}, {transform_indices = #map1}]} {
    %dma_start3A = arith.constant 0 : i32
    %dma_start3A_0 = tpu.memref_slice %arg6[%dma_start3A] : memref<32xi32, #tpu.memory_space<vmem>> -> memref<17xi32, #tpu.memory_space<vmem>>
    %dma_start3A_1 = arith.constant 0 : i32
    %dma_start3A_2 = tpu.memref_slice %arg6[%dma_start3A_1] : memref<32xi32, #tpu.memory_space<vmem>> -> memref<17xi32, #tpu.memory_space<vmem>>
    tpu.enqueue_dma source(%arg2 : memref<17xi32, #tpu.memory_space<hbm>>) target(%dma_start3A_2 : memref<17xi32, #tpu.memory_space<vmem>>) target_semaphore(%arg11 : memref<!tpu.dma_semaphore, #tpu.memory_space<semaphore_mem>>)
    %dma_wait3A = arith.constant 0 : i32
    %dma_wait3A_3 = tpu.memref_slice %arg6[%dma_wait3A] : memref<32xi32, #tpu.memory_space<vmem>> -> memref<17xi32, #tpu.memory_space<vmem>>
    %dma_wait3A_4 = arith.constant 0 : i32
    %dma_wait3A_5 = tpu.memref_slice %arg6[%dma_wait3A_4] : memref<32xi32, #tpu.memory_space<vmem>> -> memref<17xi32, #tpu.memory_space<vmem>>
    tpu.wait_dma2 semaphore(%arg11 : memref<!tpu.dma_semaphore, #tpu.memory_space<semaphore_mem>>) src(%arg2 : memref<17xi32, #tpu.memory_space<hbm>>) dst(%dma_wait3A_5 : memref<17xi32, #tpu.memory_space<vmem>>)
    tpu.enqueue_dma source(%arg3 : memref<256xf32, #tpu.memory_space<hbm>>) target(%arg7 : memref<256xf32, #tpu.memory_space<vmem>>) target_semaphore(%arg11 : memref<!tpu.dma_semaphore, #tpu.memory_space<semaphore_mem>>)
    tpu.wait_dma2 semaphore(%arg11 : memref<!tpu.dma_semaphore, #tpu.memory_space<semaphore_mem>>) src(%arg3 : memref<256xf32, #tpu.memory_space<hbm>>) dst(%arg7 : memref<256xf32, #tpu.memory_space<vmem>>)
    %get3A = arith.index_cast %arg1 : i32 to index
    %get3A_6 = tpu.vector_load %arg6[%get3A] {strides = array<i32>} : memref<32xi32, #tpu.memory_space<vmem>>, vector<16xi32>,
    %slice3A = vector.extract_strided_slice %get3A_6 {offsets = [0], sizes = [1], strides = [1]} : vector<16xi32> to vector<1xi32>
    %squeeze3A = vector.extract %slice3A[0] : i32 from vector<1xi32>
    %add3A = arith.constant 1 : i32
    %add3A_7 = arith.addi %arg1, %add3A : i32
    %get3A_8 = arith.index_cast %add3A_7 : i32 to index
    %get3A_9 = tpu.vector_load %arg6[%get3A_8] {strides = array<i32>} : memref<32xi32, #tpu.memory_space<vmem>>, vector<16xi32>,
    %slice3A_10 = vector.extract_strided_slice %get3A_9 {offsets = [0], sizes = [1], strides = [1]} : vector<16xi32> to vector<1xi32>
    %squeeze3A_11 = vector.extract %slice3A_10[0] : i32 from vector<1xi32>
    %sub3A = arith.subi %squeeze3A_11, %squeeze3A : i32
    %add3A_12 = arith.constant 1 : i32
    %add3A_13 = arith.addi %sub3A, %add3A_12 : i32
    %jit3A = arith.constant 2 : i32
    %div3A = arith.divsi %add3A_13, %jit3A : i32
    %sign3A = arith.constant 0 : i32
    %sign3A_14 = arith.cmpi sgt, %add3A_13, %sign3A : i32
    %sign3A_15 = arith.extui %sign3A_14 : i1 to i32
    %sign3A_16 = arith.constant 0 : i32
    %sign3A_17 = arith.cmpi slt, %add3A_13, %sign3A_16 : i32
    %sign3A_18 = arith.extui %sign3A_17 : i1 to i32
    %sign3A_19 = arith.subi %sign3A_15, %sign3A_18 : i32
    %sign3A_20 = arith.constant 0 : i32
    %sign3A_21 = arith.cmpi sgt, %jit3A, %sign3A_20 : i32
    %sign3A_22 = arith.extui %sign3A_21 : i1 to i32
    %sign3A_23 = arith.constant 0 : i32
    %sign3A_24 = arith.cmpi slt, %jit3A, %sign3A_23 : i32
    %sign3A_25 = arith.extui %sign3A_24 : i1 to i32
    %sign3A_26 = arith.subi %sign3A_22, %sign3A_25 : i32
    %ne3A = arith.cmpi ne, %sign3A_19, %sign3A_26 : i32
    %rem3A = arith.remsi %add3A_13, %jit3A : i32
    %ne3A_27 = arith.constant 0 : i32
    %ne3A_28 = arith.cmpi ne, %rem3A, %ne3A_27 : i32
    %and3A = arith.andi %ne3A, %ne3A_28 : i1
    %sub3A_29 = arith.constant 1 : i32
    %sub3A_30 = arith.subi %div3A, %sub3A_29 : i32
    %select_n3A = arith.select %and3A, %sub3A_30, %div3A : i32
    %mul3A = arith.muli %arg0, %select_n3A : i32
    %add3A_31 = arith.addi %squeeze3A, %mul3A : i32
    %add3A_32 = arith.addi %add3A_31, %select_n3A : i32
    %min3A = arith.minsi %squeeze3A_11, %add3A_32 : i32
    %mul3A_33 = arith.constant 40 : i32
    %mul3A_34 = arith.muli %add3A_31, %mul3A_33 : i32
    %mul3A_35 = arith.constant 40 : i32
    %mul3A_36 = arith.muli %min3A, %mul3A_35 : i32
    %sub3A_37 = arith.subi %mul3A_36, %mul3A_34 : i32
    %broadcast_in_dim3A = arith.constant 0.000000e+00 : f32
    %broadcast_in_dim3A_38 = vector.broadcast %broadcast_in_dim3A : f32 to vector<16xf32>
    %iota3A = tpu.iota {dimensions = array<i32: 0>} : vector<16xi32>
    %jit3A_39 = arith.constant 20480 : i32
    %div3A_40 = arith.divsi %sub3A_37, %jit3A_39 : i32
    %sign3A_41 = arith.constant 0 : i32
    %sign3A_42 = arith.cmpi sgt, %sub3A_37, %sign3A_41 : i32
    %sign3A_43 = arith.extui %sign3A_42 : i1 to i32
    %sign3A_44 = arith.constant 0 : i32
    %sign3A_45 = arith.cmpi slt, %sub3A_37, %sign3A_44 : i32
    %sign3A_46 = arith.extui %sign3A_45 : i1 to i32
    %sign3A_47 = arith.subi %sign3A_43, %sign3A_46 : i32
    %sign3A_48 = arith.constant 0 : i32
    %sign3A_49 = arith.cmpi sgt, %jit3A_39, %sign3A_48 : i32
    %sign3A_50 = arith.extui %sign3A_49 : i1 to i32
    %sign3A_51 = arith.constant 0 : i32
    %sign3A_52 = arith.cmpi slt, %jit3A_39, %sign3A_51 : i32
    %sign3A_53 = arith.extui %sign3A_52 : i1 to i32
    %sign3A_54 = arith.subi %sign3A_50, %sign3A_53 : i32
    %ne3A_55 = arith.cmpi ne, %sign3A_47, %sign3A_54 : i32
    %rem3A_56 = arith.remsi %sub3A_37, %jit3A_39 : i32
    %ne3A_57 = arith.constant 0 : i32
    %ne3A_58 = arith.cmpi ne, %rem3A_56, %ne3A_57 : i32
    %and3A_59 = arith.andi %ne3A_55, %ne3A_58 : i1
    %sub3A_60 = arith.constant 1 : i32
    %sub3A_61 = arith.subi %div3A_40, %sub3A_60 : i32
    %select_n3A_62 = arith.select %and3A_59, %sub3A_61, %div3A_40 : i32
    %while3A = arith.constant 0 : i32
    %while3A_63 = arith.subi %select_n3A_62, %while3A : i32
    %while3A_64 = arith.addi %while3A, %while3A_63 : i32
    %while3A_65 = arith.constant 1 : i32
    %while3A_66 = arith.divsi %while3A_63, %while3A_65 : i32
    %while3A_67 = arith.muli %while3A_66, %while3A_65 : i32
    %while3A_68 = arith.addi %while3A, %while3A_67 : i32
    %while3A_69 = arith.constant 1 : i32
    %while3A_70:5 = scf.for %while3A_139 = %while3A to %while3A_68 step %while3A_69 iter_args(%while3A_140 = %broadcast_in_dim3A_38, %while3A_141 = %broadcast_in_dim3A_38, %while3A_142 = %broadcast_in_dim3A_38, %while3A_143 = %broadcast_in_dim3A_38, %while3A_144 = %broadcast_in_dim3A_38) -> (vector<16xf32>, vector<16xf32>, vector<16xf32>, vector<16xf32>, vector<16xf32>)  : i32 {
      %mul3A_145 = arith.constant 20480 : i32
      %mul3A_146 = arith.muli %while3A_139, %mul3A_145 : i32
      %add3A_147 = arith.addi %mul3A_34, %mul3A_146 : i32
      %dma_start3A_148 = tpu.memref_slice %arg4[%add3A_147] : memref<655360xf32, #tpu.memory_space<hbm>> -> memref<20480xf32, #tpu.memory_space<hbm>>
      %dma_start3A_149 = tpu.memref_slice %arg4[%add3A_147] : memref<655360xf32, #tpu.memory_space<hbm>> -> memref<20480xf32, #tpu.memory_space<hbm>>
      tpu.enqueue_dma source(%dma_start3A_149 : memref<20480xf32, #tpu.memory_space<hbm>>) target(%arg8 : memref<20480xf32, #tpu.memory_space<vmem>>) target_semaphore(%arg11 : memref<!tpu.dma_semaphore, #tpu.memory_space<semaphore_mem>>)
      %dma_wait3A_150 = tpu.memref_slice %arg4[%add3A_147] : memref<655360xf32, #tpu.memory_space<hbm>> -> memref<20480xf32, #tpu.memory_space<hbm>>
      %dma_wait3A_151 = tpu.memref_slice %arg4[%add3A_147] : memref<655360xf32, #tpu.memory_space<hbm>> -> memref<20480xf32, #tpu.memory_space<hbm>>
      tpu.wait_dma2 semaphore(%arg11 : memref<!tpu.dma_semaphore, #tpu.memory_space<semaphore_mem>>) src(%dma_wait3A_151 : memref<20480xf32, #tpu.memory_space<hbm>>) dst(%arg8 : memref<20480xf32, #tpu.memory_space<vmem>>)
      %scan3A = arith.constant 0 : i32
      %scan3A_152 = arith.constant 256 : i32
      %scan3A_153 = arith.addi %scan3A, %scan3A_152 : i32
      %scan3A_154 = arith.constant 1 : i32
      %scan3A_155:5 = scf.for %scan3A_157 = %scan3A to %scan3A_153 step %scan3A_154 iter_args(%scan3A_158 = %while3A_140, %scan3A_159 = %while3A_141, %scan3A_160 = %while3A_142, %scan3A_161 = %while3A_143, %scan3A_162 = %while3A_144) -> (vector<16xf32>, vector<16xf32>, vector<16xf32>, vector<16xf32>, vector<16xf32>)  : i32 {
        %mul3A_163 = arith.constant 80 : i32
        %mul3A_164 = arith.muli %scan3A_157, %mul3A_163 : i32
        %add3A_165 = arith.constant 0 : i32
        %add3A_166 = arith.addi %mul3A_164, %add3A_165 : i32
        %get3A_167 = arith.index_cast %add3A_166 : i32 to index
        %get3A_168 = tpu.vector_load %arg8[%get3A_167] {strides = array<i32>} : memref<20480xf32, #tpu.memory_space<vmem>>, vector<16xf32>,
        %add3A_169 = arith.addf %scan3A_158, %get3A_168 : vector<16xf32>
        %add3A_170 = arith.constant 16 : i32
        %add3A_171 = arith.addi %mul3A_164, %add3A_170 : i32
        %get3A_172 = arith.index_cast %add3A_171 : i32 to index
        %get3A_173 = tpu.vector_load %arg8[%get3A_172] {strides = array<i32>} : memref<20480xf32, #tpu.memory_space<vmem>>, vector<16xf32>,
        %add3A_174 = arith.addf %scan3A_159, %get3A_173 : vector<16xf32>
        %add3A_175 = arith.constant 32 : i32
        %add3A_176 = arith.addi %mul3A_164, %add3A_175 : i32
        %get3A_177 = arith.index_cast %add3A_176 : i32 to index
        %get3A_178 = tpu.vector_load %arg8[%get3A_177] {strides = array<i32>} : memref<20480xf32, #tpu.memory_space<vmem>>, vector<16xf32>,
        %add3A_179 = arith.addf %scan3A_160, %get3A_178 : vector<16xf32>
        %add3A_180 = arith.constant 48 : i32
        %add3A_181 = arith.addi %mul3A_164, %add3A_180 : i32
        %get3A_182 = arith.index_cast %add3A_181 : i32 to index
        %get3A_183 = tpu.vector_load %arg8[%get3A_182] {strides = array<i32>} : memref<20480xf32, #tpu.memory_space<vmem>>, vector<16xf32>,
        %add3A_184 = arith.addf %scan3A_161, %get3A_183 : vector<16xf32>
        %add3A_185 = arith.constant 64 : i32
        %add3A_186 = arith.addi %mul3A_164, %add3A_185 : i32
        %get3A_187 = arith.index_cast %add3A_186 : i32 to index
        %get3A_188 = tpu.vector_load %arg8[%get3A_187] {strides = array<i32>} : memref<20480xf32, #tpu.memory_space<vmem>>, vector<16xf32>,
        %add3A_189 = arith.addf %scan3A_162, %get3A_188 : vector<16xf32>
        scf.yield %add3A_169, %add3A_174, %add3A_179, %add3A_184, %add3A_189 : vector<16xf32>, vector<16xf32>, vector<16xf32>, vector<16xf32>, vector<16xf32>
      }
      %scan3A_156 = arith.constant 256 : i32
      scf.yield %scan3A_155#0, %scan3A_155#1, %scan3A_155#2, %scan3A_155#3, %scan3A_155#4 : vector<16xf32>, vector<16xf32>, vector<16xf32>, vector<16xf32>, vector<16xf32>
    }
    %while3A_71 = arith.constant 1 : i32
    %while3A_72:5 = scf.for %while3A_139 = %while3A_68 to %while3A_64 step %while3A_71 iter_args(%while3A_140 = %while3A_70#0, %while3A_141 = %while3A_70#1, %while3A_142 = %while3A_70#2, %while3A_143 = %while3A_70#3, %while3A_144 = %while3A_70#4) -> (vector<16xf32>, vector<16xf32>, vector<16xf32>, vector<16xf32>, vector<16xf32>)  : i32 {
      %mul3A_145 = arith.constant 20480 : i32
      %mul3A_146 = arith.muli %while3A_139, %mul3A_145 : i32
      %add3A_147 = arith.addi %mul3A_34, %mul3A_146 : i32
      %dma_start3A_148 = tpu.memref_slice %arg4[%add3A_147] : memref<655360xf32, #tpu.memory_space<hbm>> -> memref<20480xf32, #tpu.memory_space<hbm>>
      %dma_start3A_149 = tpu.memref_slice %arg4[%add3A_147] : memref<655360xf32, #tpu.memory_space<hbm>> -> memref<20480xf32, #tpu.memory_space<hbm>>
      tpu.enqueue_dma source(%dma_start3A_149 : memref<20480xf32, #tpu.memory_space<hbm>>) target(%arg8 : memref<20480xf32, #tpu.memory_space<vmem>>) target_semaphore(%arg11 : memref<!tpu.dma_semaphore, #tpu.memory_space<semaphore_mem>>)
      %dma_wait3A_150 = tpu.memref_slice %arg4[%add3A_147] : memref<655360xf32, #tpu.memory_space<hbm>> -> memref<20480xf32, #tpu.memory_space<hbm>>
      %dma_wait3A_151 = tpu.memref_slice %arg4[%add3A_147] : memref<655360xf32, #tpu.memory_space<hbm>> -> memref<20480xf32, #tpu.memory_space<hbm>>
      tpu.wait_dma2 semaphore(%arg11 : memref<!tpu.dma_semaphore, #tpu.memory_space<semaphore_mem>>) src(%dma_wait3A_151 : memref<20480xf32, #tpu.memory_space<hbm>>) dst(%arg8 : memref<20480xf32, #tpu.memory_space<vmem>>)
      %scan3A = arith.constant 0 : i32
      %scan3A_152 = arith.constant 256 : i32
      %scan3A_153 = arith.addi %scan3A, %scan3A_152 : i32
      %scan3A_154 = arith.constant 1 : i32
      %scan3A_155:5 = scf.for %scan3A_157 = %scan3A to %scan3A_153 step %scan3A_154 iter_args(%scan3A_158 = %while3A_140, %scan3A_159 = %while3A_141, %scan3A_160 = %while3A_142, %scan3A_161 = %while3A_143, %scan3A_162 = %while3A_144) -> (vector<16xf32>, vector<16xf32>, vector<16xf32>, vector<16xf32>, vector<16xf32>)  : i32 {
        %mul3A_163 = arith.constant 80 : i32
        %mul3A_164 = arith.muli %scan3A_157, %mul3A_163 : i32
        %add3A_165 = arith.constant 0 : i32
        %add3A_166 = arith.addi %mul3A_164, %add3A_165 : i32
        %get3A_167 = arith.index_cast %add3A_166 : i32 to index
        %get3A_168 = tpu.vector_load %arg8[%get3A_167] {strides = array<i32>} : memref<20480xf32, #tpu.memory_space<vmem>>, vector<16xf32>,
        %add3A_169 = arith.addf %scan3A_158, %get3A_168 : vector<16xf32>
        %add3A_170 = arith.constant 16 : i32
        %add3A_171 = arith.addi %mul3A_164, %add3A_170 : i32
        %get3A_172 = arith.index_cast %add3A_171 : i32 to index
        %get3A_173 = tpu.vector_load %arg8[%get3A_172] {strides = array<i32>} : memref<20480xf32, #tpu.memory_space<vmem>>, vector<16xf32>,
        %add3A_174 = arith.addf %scan3A_159, %get3A_173 : vector<16xf32>
        %add3A_175 = arith.constant 32 : i32
        %add3A_176 = arith.addi %mul3A_164, %add3A_175 : i32
        %get3A_177 = arith.index_cast %add3A_176 : i32 to index
        %get3A_178 = tpu.vector_load %arg8[%get3A_177] {strides = array<i32>} : memref<20480xf32, #tpu.memory_space<vmem>>, vector<16xf32>,
        %add3A_179 = arith.addf %scan3A_160, %get3A_178 : vector<16xf32>
        %add3A_180 = arith.constant 48 : i32
        %add3A_181 = arith.addi %mul3A_164, %add3A_180 : i32
        %get3A_182 = arith.index_cast %add3A_181 : i32 to index
        %get3A_183 = tpu.vector_load %arg8[%get3A_182] {strides = array<i32>} : memref<20480xf32, #tpu.memory_space<vmem>>, vector<16xf32>,
        %add3A_184 = arith.addf %scan3A_161, %get3A_183 : vector<16xf32>
        %add3A_185 = arith.constant 64 : i32
        %add3A_186 = arith.addi %mul3A_164, %add3A_185 : i32
        %get3A_187 = arith.index_cast %add3A_186 : i32 to index
        %get3A_188 = tpu.vector_load %arg8[%get3A_187] {strides = array<i32>} : memref<20480xf32, #tpu.memory_space<vmem>>, vector<16xf32>,
        %add3A_189 = arith.addf %scan3A_162, %get3A_188 : vector<16xf32>
        scf.yield %add3A_169, %add3A_174, %add3A_179, %add3A_184, %add3A_189 : vector<16xf32>, vector<16xf32>, vector<16xf32>, vector<16xf32>, vector<16xf32>
      }
      %scan3A_156 = arith.constant 256 : i32
      scf.yield %scan3A_155#0, %scan3A_155#1, %scan3A_155#2, %scan3A_155#3, %scan3A_155#4 : vector<16xf32>, vector<16xf32>, vector<16xf32>, vector<16xf32>, vector<16xf32>
    }
    %mul3A_73 = arith.constant 20480 : i32
    %mul3A_74 = arith.muli %select_n3A_62, %mul3A_73 : i32
    %sub3A_75 = arith.subi %sub3A_37, %mul3A_74 : i32
    %mul3A_76 = arith.constant 20480 : i32
    %mul3A_77 = arith.muli %select_n3A_62, %mul3A_76 : i32
    %add3A_78 = arith.addi %mul3A_34, %mul3A_77 : i32
    %min3A_79 = arith.constant 634880 : i32
    %min3A_80 = arith.minsi %add3A_78, %min3A_79 : i32
    %swap3A = arith.constant 0 : index
    %swap3A_81 = tpu.vector_load %arg9[%swap3A] {strides = array<i32>} : memref<96xf32, #tpu.memory_space<vmem>>, vector<16xf32>,
    tpu.vector_store %arg9[%swap3A], %while3A_72#0 {strides = array<i32>} : memref<96xf32, #tpu.memory_space<vmem>>, vector<16xf32>,
    %swap3A_82 = arith.constant 16 : index
    %swap3A_83 = tpu.vector_load %arg9[%swap3A_82] {strides = array<i32>} : memref<96xf32, #tpu.memory_space<vmem>>, vector<16xf32>,
    tpu.vector_store %arg9[%swap3A_82], %while3A_72#1 {strides = array<i32>} : memref<96xf32, #tpu.memory_space<vmem>>, vector<16xf32>,
    %swap3A_84 = arith.constant 32 : index
    %swap3A_85 = tpu.vector_load %arg9[%swap3A_84] {strides = array<i32>} : memref<96xf32, #tpu.memory_space<vmem>>, vector<16xf32>,
    tpu.vector_store %arg9[%swap3A_84], %while3A_72#2 {strides = array<i32>} : memref<96xf32, #tpu.memory_space<vmem>>, vector<16xf32>,
    %swap3A_86 = arith.constant 48 : index
    %swap3A_87 = tpu.vector_load %arg9[%swap3A_86] {strides = array<i32>} : memref<96xf32, #tpu.memory_space<vmem>>, vector<16xf32>,
    tpu.vector_store %arg9[%swap3A_86], %while3A_72#3 {strides = array<i32>} : memref<96xf32, #tpu.memory_space<vmem>>, vector<16xf32>,
    %swap3A_88 = arith.constant 64 : index
    %swap3A_89 = tpu.vector_load %arg9[%swap3A_88] {strides = array<i32>} : memref<96xf32, #tpu.memory_space<vmem>>, vector<16xf32>,
    tpu.vector_store %arg9[%swap3A_88], %while3A_72#4 {strides = array<i32>} : memref<96xf32, #tpu.memory_space<vmem>>, vector<16xf32>,
    %gt3A = arith.constant 0 : i32
    %gt3A_90 = arith.cmpi sgt, %sub3A_75, %gt3A : i32
    %convert_element_type3A = arith.extui %gt3A_90 : i1 to i32
    %cond3A = arith.constant 0 : i32
    %cond3A_91 = arith.cmpi ne, %convert_element_type3A, %cond3A : i32
    scf.if %cond3A_91 {
      %dma_start3A_139 = tpu.memref_slice %arg4[%min3A_80] : memref<655360xf32, #tpu.memory_space<hbm>> -> memref<20480xf32, #tpu.memory_space<hbm>>
      %dma_start3A_140 = tpu.memref_slice %arg4[%min3A_80] : memref<655360xf32, #tpu.memory_space<hbm>> -> memref<20480xf32, #tpu.memory_space<hbm>>
      tpu.enqueue_dma source(%dma_start3A_140 : memref<20480xf32, #tpu.memory_space<hbm>>) target(%arg8 : memref<20480xf32, #tpu.memory_space<vmem>>) target_semaphore(%arg11 : memref<!tpu.dma_semaphore, #tpu.memory_space<semaphore_mem>>)
      %dma_wait3A_141 = tpu.memref_slice %arg4[%min3A_80] : memref<655360xf32, #tpu.memory_space<hbm>> -> memref<20480xf32, #tpu.memory_space<hbm>>
      %dma_wait3A_142 = tpu.memref_slice %arg4[%min3A_80] : memref<655360xf32, #tpu.memory_space<hbm>> -> memref<20480xf32, #tpu.memory_space<hbm>>
      tpu.wait_dma2 semaphore(%arg11 : memref<!tpu.dma_semaphore, #tpu.memory_space<semaphore_mem>>) src(%dma_wait3A_142 : memref<20480xf32, #tpu.memory_space<hbm>>) dst(%arg8 : memref<20480xf32, #tpu.memory_space<vmem>>)
      %get3A_143 = arith.constant 0 : index
      %get3A_144 = tpu.vector_load %arg9[%get3A_143] {strides = array<i32>} : memref<96xf32, #tpu.memory_space<vmem>>, vector<16xf32>,
      %get3A_145 = arith.constant 16 : index
      %get3A_146 = tpu.vector_load %arg9[%get3A_145] {strides = array<i32>} : memref<96xf32, #tpu.memory_space<vmem>>, vector<16xf32>,
      %get3A_147 = arith.constant 32 : index
      %get3A_148 = tpu.vector_load %arg9[%get3A_147] {strides = array<i32>} : memref<96xf32, #tpu.memory_space<vmem>>, vector<16xf32>,
      %get3A_149 = arith.constant 48 : index
      %get3A_150 = tpu.vector_load %arg9[%get3A_149] {strides = array<i32>} : memref<96xf32, #tpu.memory_space<vmem>>, vector<16xf32>,
      %get3A_151 = arith.constant 64 : index
      %get3A_152 = tpu.vector_load %arg9[%get3A_151] {strides = array<i32>} : memref<96xf32, #tpu.memory_space<vmem>>, vector<16xf32>,
      %scan3A = arith.constant 0 : i32
      %scan3A_153 = arith.constant 256 : i32
      %scan3A_154 = arith.addi %scan3A, %scan3A_153 : i32
      %scan3A_155 = arith.constant 1 : i32
      %scan3A_156:5 = scf.for %scan3A_168 = %scan3A to %scan3A_154 step %scan3A_155 iter_args(%scan3A_169 = %get3A_144, %scan3A_170 = %get3A_146, %scan3A_171 = %get3A_148, %scan3A_172 = %get3A_150, %scan3A_173 = %get3A_152) -> (vector<16xf32>, vector<16xf32>, vector<16xf32>, vector<16xf32>, vector<16xf32>)  : i32 {
        %mul3A_174 = arith.constant 80 : i32
        %mul3A_175 = arith.muli %scan3A_168, %mul3A_174 : i32
        %add3A_176 = arith.addi %min3A_80, %mul3A_175 : i32
        %add3A_177 = arith.constant 0 : i32
        %add3A_178 = arith.addi %add3A_176, %add3A_177 : i32
        %add3A_179 = vector.broadcast %add3A_178 : i32 to vector<16xi32>
        %add3A_180 = arith.addi %add3A_179, %iota3A : vector<16xi32>
        %ge3A = vector.broadcast %add3A_78 : i32 to vector<16xi32>
        %ge3A_181 = arith.cmpi sge, %add3A_180, %ge3A : vector<16xi32>
        %lt3A = vector.broadcast %mul3A_36 : i32 to vector<16xi32>
        %lt3A_182 = arith.cmpi slt, %add3A_180, %lt3A : vector<16xi32>
        %and3A_183 = arith.andi %ge3A_181, %lt3A_182 : vector<16xi1>
        %add3A_184 = arith.constant 0 : i32
        %add3A_185 = arith.addi %mul3A_175, %add3A_184 : i32
        %get3A_186 = arith.index_cast %add3A_185 : i32 to index
        %get3A_187 = tpu.vector_load %arg8[%get3A_186] {strides = array<i32>} : memref<20480xf32, #tpu.memory_space<vmem>>, vector<16xf32>,
        %jit3A_188 = arith.constant 0.000000e+00 : f32
        %broadcast_in_dim3A_189 = vector.broadcast %jit3A_188 : f32 to vector<16xf32>
        %select_n3A_190 = arith.select %and3A_183, %get3A_187, %broadcast_in_dim3A_189 : vector<16xi1>, vector<16xf32>
        %add3A_191 = arith.addf %scan3A_169, %select_n3A_190 : vector<16xf32>
        %add3A_192 = arith.addi %min3A_80, %mul3A_175 : i32
        %add3A_193 = arith.constant 16 : i32
        %add3A_194 = arith.addi %add3A_192, %add3A_193 : i32
        %add3A_195 = vector.broadcast %add3A_194 : i32 to vector<16xi32>
        %add3A_196 = arith.addi %add3A_195, %iota3A : vector<16xi32>
        %ge3A_197 = vector.broadcast %add3A_78 : i32 to vector<16xi32>
        %ge3A_198 = arith.cmpi sge, %add3A_196, %ge3A_197 : vector<16xi32>
        %lt3A_199 = vector.broadcast %mul3A_36 : i32 to vector<16xi32>
        %lt3A_200 = arith.cmpi slt, %add3A_196, %lt3A_199 : vector<16xi32>
        %and3A_201 = arith.andi %ge3A_198, %lt3A_200 : vector<16xi1>
        %add3A_202 = arith.constant 16 : i32
        %add3A_203 = arith.addi %mul3A_175, %add3A_202 : i32
        %get3A_204 = arith.index_cast %add3A_203 : i32 to index
        %get3A_205 = tpu.vector_load %arg8[%get3A_204] {strides = array<i32>} : memref<20480xf32, #tpu.memory_space<vmem>>, vector<16xf32>,
        %jit3A_206 = arith.constant 0.000000e+00 : f32
        %broadcast_in_dim3A_207 = vector.broadcast %jit3A_206 : f32 to vector<16xf32>
        %select_n3A_208 = arith.select %and3A_201, %get3A_205, %broadcast_in_dim3A_207 : vector<16xi1>, vector<16xf32>
        %add3A_209 = arith.addf %scan3A_170, %select_n3A_208 : vector<16xf32>
        %add3A_210 = arith.addi %min3A_80, %mul3A_175 : i32
        %add3A_211 = arith.constant 32 : i32
        %add3A_212 = arith.addi %add3A_210, %add3A_211 : i32
        %add3A_213 = vector.broadcast %add3A_212 : i32 to vector<16xi32>
        %add3A_214 = arith.addi %add3A_213, %iota3A : vector<16xi32>
        %ge3A_215 = vector.broadcast %add3A_78 : i32 to vector<16xi32>
        %ge3A_216 = arith.cmpi sge, %add3A_214, %ge3A_215 : vector<16xi32>
        %lt3A_217 = vector.broadcast %mul3A_36 : i32 to vector<16xi32>
        %lt3A_218 = arith.cmpi slt, %add3A_214, %lt3A_217 : vector<16xi32>
        %and3A_219 = arith.andi %ge3A_216, %lt3A_218 : vector<16xi1>
        %add3A_220 = arith.constant 32 : i32
        %add3A_221 = arith.addi %mul3A_175, %add3A_220 : i32
        %get3A_222 = arith.index_cast %add3A_221 : i32 to index
        %get3A_223 = tpu.vector_load %arg8[%get3A_222] {strides = array<i32>} : memref<20480xf32, #tpu.memory_space<vmem>>, vector<16xf32>,
        %jit3A_224 = arith.constant 0.000000e+00 : f32
        %broadcast_in_dim3A_225 = vector.broadcast %jit3A_224 : f32 to vector<16xf32>
        %select_n3A_226 = arith.select %and3A_219, %get3A_223, %broadcast_in_dim3A_225 : vector<16xi1>, vector<16xf32>
        %add3A_227 = arith.addf %scan3A_171, %select_n3A_226 : vector<16xf32>
        %add3A_228 = arith.addi %min3A_80, %mul3A_175 : i32
        %add3A_229 = arith.constant 48 : i32
        %add3A_230 = arith.addi %add3A_228, %add3A_229 : i32
        %add3A_231 = vector.broadcast %add3A_230 : i32 to vector<16xi32>
        %add3A_232 = arith.addi %add3A_231, %iota3A : vector<16xi32>
        %ge3A_233 = vector.broadcast %add3A_78 : i32 to vector<16xi32>
        %ge3A_234 = arith.cmpi sge, %add3A_232, %ge3A_233 : vector<16xi32>
        %lt3A_235 = vector.broadcast %mul3A_36 : i32 to vector<16xi32>
        %lt3A_236 = arith.cmpi slt, %add3A_232, %lt3A_235 : vector<16xi32>
        %and3A_237 = arith.andi %ge3A_234, %lt3A_236 : vector<16xi1>
        %add3A_238 = arith.constant 48 : i32
        %add3A_239 = arith.addi %mul3A_175, %add3A_238 : i32
        %get3A_240 = arith.index_cast %add3A_239 : i32 to index
        %get3A_241 = tpu.vector_load %arg8[%get3A_240] {strides = array<i32>} : memref<20480xf32, #tpu.memory_space<vmem>>, vector<16xf32>,
        %jit3A_242 = arith.constant 0.000000e+00 : f32
        %broadcast_in_dim3A_243 = vector.broadcast %jit3A_242 : f32 to vector<16xf32>
        %select_n3A_244 = arith.select %and3A_237, %get3A_241, %broadcast_in_dim3A_243 : vector<16xi1>, vector<16xf32>
        %add3A_245 = arith.addf %scan3A_172, %select_n3A_244 : vector<16xf32>
        %add3A_246 = arith.addi %min3A_80, %mul3A_175 : i32
        %add3A_247 = arith.constant 64 : i32
        %add3A_248 = arith.addi %add3A_246, %add3A_247 : i32
        %add3A_249 = vector.broadcast %add3A_248 : i32 to vector<16xi32>
        %add3A_250 = arith.addi %add3A_249, %iota3A : vector<16xi32>
        %ge3A_251 = vector.broadcast %add3A_78 : i32 to vector<16xi32>
        %ge3A_252 = arith.cmpi sge, %add3A_250, %ge3A_251 : vector<16xi32>
        %lt3A_253 = vector.broadcast %mul3A_36 : i32 to vector<16xi32>
        %lt3A_254 = arith.cmpi slt, %add3A_250, %lt3A_253 : vector<16xi32>
        %and3A_255 = arith.andi %ge3A_252, %lt3A_254 : vector<16xi1>
        %add3A_256 = arith.constant 64 : i32
        %add3A_257 = arith.addi %mul3A_175, %add3A_256 : i32
        %get3A_258 = arith.index_cast %add3A_257 : i32 to index
        %get3A_259 = tpu.vector_load %arg8[%get3A_258] {strides = array<i32>} : memref<20480xf32, #tpu.memory_space<vmem>>, vector<16xf32>,
        %jit3A_260 = arith.constant 0.000000e+00 : f32
        %broadcast_in_dim3A_261 = vector.broadcast %jit3A_260 : f32 to vector<16xf32>
        %select_n3A_262 = arith.select %and3A_255, %get3A_259, %broadcast_in_dim3A_261 : vector<16xi1>, vector<16xf32>
        %add3A_263 = arith.addf %scan3A_173, %select_n3A_262 : vector<16xf32>
        scf.yield %add3A_191, %add3A_209, %add3A_227, %add3A_245, %add3A_263 : vector<16xf32>, vector<16xf32>, vector<16xf32>, vector<16xf32>, vector<16xf32>
      }
      %scan3A_157 = arith.constant 256 : i32
      %swap3A_158 = arith.constant 0 : index
      %swap3A_159 = tpu.vector_load %arg9[%swap3A_158] {strides = array<i32>} : memref<96xf32, #tpu.memory_space<vmem>>, vector<16xf32>,
      tpu.vector_store %arg9[%swap3A_158], %scan3A_156#0 {strides = array<i32>} : memref<96xf32, #tpu.memory_space<vmem>>, vector<16xf32>,
      %swap3A_160 = arith.constant 16 : index
      %swap3A_161 = tpu.vector_load %arg9[%swap3A_160] {strides = array<i32>} : memref<96xf32, #tpu.memory_space<vmem>>, vector<16xf32>,
      tpu.vector_store %arg9[%swap3A_160], %scan3A_156#1 {strides = array<i32>} : memref<96xf32, #tpu.memory_space<vmem>>, vector<16xf32>,
      %swap3A_162 = arith.constant 32 : index
      %swap3A_163 = tpu.vector_load %arg9[%swap3A_162] {strides = array<i32>} : memref<96xf32, #tpu.memory_space<vmem>>, vector<16xf32>,
      tpu.vector_store %arg9[%swap3A_162], %scan3A_156#2 {strides = array<i32>} : memref<96xf32, #tpu.memory_space<vmem>>, vector<16xf32>,
      %swap3A_164 = arith.constant 48 : index
      %swap3A_165 = tpu.vector_load %arg9[%swap3A_164] {strides = array<i32>} : memref<96xf32, #tpu.memory_space<vmem>>, vector<16xf32>,
      tpu.vector_store %arg9[%swap3A_164], %scan3A_156#3 {strides = array<i32>} : memref<96xf32, #tpu.memory_space<vmem>>, vector<16xf32>,
      %swap3A_166 = arith.constant 64 : index
      %swap3A_167 = tpu.vector_load %arg9[%swap3A_166] {strides = array<i32>} : memref<96xf32, #tpu.memory_space<vmem>>, vector<16xf32>,
      tpu.vector_store %arg9[%swap3A_166], %scan3A_156#4 {strides = array<i32>} : memref<96xf32, #tpu.memory_space<vmem>>, vector<16xf32>,
    } else {
    }
    %swap3A_92 = arith.constant 80 : index
    %swap3A_93 = tpu.vector_load %arg9[%swap3A_92] {strides = array<i32>} : memref<96xf32, #tpu.memory_space<vmem>>, vector<16xf32>,
    tpu.vector_store %arg9[%swap3A_92], %broadcast_in_dim3A_38 {strides = array<i32>} : memref<96xf32, #tpu.memory_space<vmem>>, vector<16xf32>,
    %mul3A_94 = arith.constant 16 : i32
    %mul3A_95 = arith.muli %arg1, %mul3A_94 : i32
    %get3A_96 = arith.index_cast %mul3A_95 : i32 to index
    %get3A_97 = tpu.vector_load %arg7[%get3A_96] {strides = array<i32>} : memref<256xf32, #tpu.memory_space<vmem>>, vector<16xf32>,
    %get3A_98 = arith.constant 0 : index
    %get3A_99 = tpu.vector_load %arg9[%get3A_98] {strides = array<i32>} : memref<96xf32, #tpu.memory_space<vmem>>, vector<16xf32>,
    %add3A_100 = arith.constant 40 : i32
    %add3A_101 = vector.broadcast %add3A_100 : i32 to vector<16xi32>
    %add3A_102 = arith.addi %iota3A, %add3A_101 : vector<16xi32>
    %gather3A = tpu.vector_load_idx %arg9[%add3A_102] : memref<96xf32, #tpu.memory_space<vmem>>[vector<16xi32>], vector<16xf32>,
    %add3A_103 = arith.addf %get3A_99, %gather3A : vector<16xf32>
    %get3A_104 = arith.constant 16 : index
    %get3A_105 = tpu.vector_load %arg9[%get3A_104] {strides = array<i32>} : memref<96xf32, #tpu.memory_space<vmem>>, vector<16xf32>,
    %add3A_106 = arith.constant 56 : i32
    %add3A_107 = vector.broadcast %add3A_106 : i32 to vector<16xi32>
    %add3A_108 = arith.addi %iota3A, %add3A_107 : vector<16xi32>
    %gather3A_109 = tpu.vector_load_idx %arg9[%add3A_108] : memref<96xf32, #tpu.memory_space<vmem>>[vector<16xi32>], vector<16xf32>,
    %add3A_110 = arith.addf %get3A_105, %gather3A_109 : vector<16xf32>
    %get3A_111 = arith.constant 32 : index
    %get3A_112 = tpu.vector_load %arg9[%get3A_111] {strides = array<i32>} : memref<96xf32, #tpu.memory_space<vmem>>, vector<16xf32>,
    %add3A_113 = arith.constant 72 : i32
    %add3A_114 = vector.broadcast %add3A_113 : i32 to vector<16xi32>
    %add3A_115 = arith.addi %iota3A, %add3A_114 : vector<16xi32>
    %gather3A_116 = tpu.vector_load_idx %arg9[%add3A_115] : memref<96xf32, #tpu.memory_space<vmem>>[vector<16xi32>], vector<16xf32>,
    %add3A_117 = arith.addf %get3A_112, %gather3A_116 : vector<16xf32>
    %mul3A_118 = arith.mulf %add3A_103, %get3A_97 : vector<16xf32>
    %swap3A_119 = arith.constant 0 : index
    %swap3A_120 = tpu.vector_load %arg10[%swap3A_119] {strides = array<i32>} : memref<48xf32, #tpu.memory_space<vmem>>, vector<16xf32>,
    tpu.vector_store %arg10[%swap3A_119], %mul3A_118 {strides = array<i32>} : memref<48xf32, #tpu.memory_space<vmem>>, vector<16xf32>,
    %mul3A_121 = arith.mulf %add3A_110, %get3A_97 : vector<16xf32>
    %swap3A_122 = arith.constant 16 : index
    %swap3A_123 = tpu.vector_load %arg10[%swap3A_122] {strides = array<i32>} : memref<48xf32, #tpu.memory_space<vmem>>, vector<16xf32>,
    tpu.vector_store %arg10[%swap3A_122], %mul3A_121 {strides = array<i32>} : memref<48xf32, #tpu.memory_space<vmem>>, vector<16xf32>,
    %mul3A_124 = arith.mulf %add3A_117, %get3A_97 : vector<16xf32>
    %swap3A_125 = arith.constant 32 : index
    %swap3A_126 = tpu.vector_load %arg10[%swap3A_125] {strides = array<i32>} : memref<48xf32, #tpu.memory_space<vmem>>, vector<16xf32>,
    tpu.vector_store %arg10[%swap3A_125], %mul3A_124 {strides = array<i32>} : memref<48xf32, #tpu.memory_space<vmem>>, vector<16xf32>,
    %dma_start3A_127 = arith.constant 0 : i32
    %dma_start3A_128 = tpu.memref_slice %arg5[%arg0, %arg1, %dma_start3A_127] : memref<2x16x48xf32, #tpu.memory_space<hbm>> -> memref<1x1x48xf32, #tpu.memory_space<hbm>>
    %dma_start3A_129 = tpu.memref_squeeze %dma_start3A_128 : memref<1x1x48xf32, #tpu.memory_space<hbm>> -> memref<48xf32, #tpu.memory_space<hbm>>
    %dma_start3A_130 = arith.constant 0 : i32
    %dma_start3A_131 = tpu.memref_slice %arg5[%arg0, %arg1, %dma_start3A_130] : memref<2x16x48xf32, #tpu.memory_space<hbm>> -> memref<1x1x48xf32, #tpu.memory_space<hbm>>
    %dma_start3A_132 = tpu.memref_squeeze %dma_start3A_131 : memref<1x1x48xf32, #tpu.memory_space<hbm>> -> memref<48xf32, #tpu.memory_space<hbm>>
    tpu.enqueue_dma source(%arg10 : memref<48xf32, #tpu.memory_space<vmem>>) target(%dma_start3A_132 : memref<48xf32, #tpu.memory_space<hbm>>) target_semaphore(%arg11 : memref<!tpu.dma_semaphore, #tpu.memory_space<semaphore_mem>>)
    %dma_wait3A_133 = arith.constant 0 : i32
    %dma_wait3A_134 = tpu.memref_slice %arg5[%arg0, %arg1, %dma_wait3A_133] : memref<2x16x48xf32, #tpu.memory_space<hbm>> -> memref<1x1x48xf32, #tpu.memory_space<hbm>>
    %dma_wait3A_135 = tpu.memref_squeeze %dma_wait3A_134 : memref<1x1x48xf32, #tpu.memory_space<hbm>> -> memref<48xf32, #tpu.memory_space<hbm>>
    %dma_wait3A_136 = arith.constant 0 : i32
    %dma_wait3A_137 = tpu.memref_slice %arg5[%arg0, %arg1, %dma_wait3A_136] : memref<2x16x48xf32, #tpu.memory_space<hbm>> -> memref<1x1x48xf32, #tpu.memory_space<hbm>>
    %dma_wait3A_138 = tpu.memref_squeeze %dma_wait3A_137 : memref<1x1x48xf32, #tpu.memory_space<hbm>> -> memref<48xf32, #tpu.memory_space<hbm>>
    tpu.wait_dma2 semaphore(%arg11 : memref<!tpu.dma_semaphore, #tpu.memory_space<semaphore_mem>>) src(%arg10 : memref<48xf32, #tpu.memory_space<vmem>>) dst(%dma_wait3A_138 : memref<48xf32, #tpu.memory_space<hbm>>)
    return
  }
}

module attributes {stable_mosaic.version = 14 : i64} {
  func.func @_mlp_kernel(%arg0: i32, %arg1: memref<4096x256xf32, #tpu.memory_space<vmem>>, %arg2: memref<256x512xf32, #tpu.memory_space<vmem>>, %arg3: memref<1x512xf32, #tpu.memory_space<vmem>>, %arg4: memref<512x256xf32, #tpu.memory_space<vmem>>, %arg5: memref<1x256xf32, #tpu.memory_space<vmem>>, %arg6: memref<256x40xf32, #tpu.memory_space<vmem>>, %arg7: memref<1x40xf32, #tpu.memory_space<vmem>>, %arg8: memref<4096x40xf32, #tpu.memory_space<vmem>>) attributes {dimension_semantics = [#tpu.dimension_semantics<arbitrary>], iteration_bounds = array<i64: 4>, scalar_prefetch = 0 : i64, scratch_operands = 0 : i64, tpu.core_type = #tpu.core_type<tc>, window_params = [{transform_indices = @transform_0, window_bounds = array<i64: 4096, 256>}, {pipeline_mode = #tpu.pipeline_mode<synchronous>, transform_indices = @transform_1, window_bounds = array<i64: 256, 512>}, {pipeline_mode = #tpu.pipeline_mode<synchronous>, transform_indices = @transform_2, window_bounds = array<i64: 1, 512>}, {pipeline_mode = #tpu.pipeline_mode<synchronous>, transform_indices = @transform_3, window_bounds = array<i64: 512, 256>}, {pipeline_mode = #tpu.pipeline_mode<synchronous>, transform_indices = @transform_4, window_bounds = array<i64: 1, 256>}, {pipeline_mode = #tpu.pipeline_mode<synchronous>, transform_indices = @transform_5, window_bounds = array<i64: 256, 40>}, {pipeline_mode = #tpu.pipeline_mode<synchronous>, transform_indices = @transform_6, window_bounds = array<i64: 1, 40>}, {transform_indices = @transform_7, window_bounds = array<i64: 4096, 40>}]} {
    %get3A = arith.constant 0 : index
    %get3A_0 = arith.constant 0 : index
    %get3A_1 = vector.load %arg1[%get3A, %get3A_0] : memref<4096x256xf32, #tpu.memory_space<vmem>>, vector<4096x256xf32>
    %get3A_2 = arith.constant 0 : index
    %get3A_3 = arith.constant 0 : index
    %get3A_4 = vector.load %arg2[%get3A_2, %get3A_3] : memref<256x512xf32, #tpu.memory_space<vmem>>, vector<256x512xf32>
    %dot_general3A = arith.constant dense<0.000000e+00> : vector<4096x512xf32>
    %dot_general3A_5 = tpu.matmul %get3A_1, %get3A_4, %dot_general3A {dimension_numbers = #tpu.dot_dimension_numbers<[1], [0], [0], [1], [0, 0, 1, 1], [], []>, transpose_lhs_hint = false} : vector<4096x256xf32>, vector<256x512xf32>, vector<4096x512xf32> -> vector<4096x512xf32>
    %get3A_6 = arith.constant 0 : index
    %get3A_7 = arith.constant 0 : index
    %get3A_8 = vector.load %arg3[%get3A_6, %get3A_7] : memref<1x512xf32, #tpu.memory_space<vmem>>, vector<1x512xf32>
    %add3A = vector.broadcast %get3A_8 : vector<1x512xf32> to vector<4096x512xf32>
    %add3A_9 = arith.addf %dot_general3A_5, %add3A : vector<4096x512xf32>
    %max3A = arith.constant 0.000000e+00 : f32
    %max3A_10 = vector.broadcast %max3A : f32 to vector<4096x512xf32>
    %max3A_11 = arith.maximumf %add3A_9, %max3A_10 : vector<4096x512xf32>
    %get3A_12 = arith.constant 0 : index
    %get3A_13 = arith.constant 0 : index
    %get3A_14 = vector.load %arg4[%get3A_12, %get3A_13] : memref<512x256xf32, #tpu.memory_space<vmem>>, vector<512x256xf32>
    %dot_general3A_15 = arith.constant dense<0.000000e+00> : vector<4096x256xf32>
    %dot_general3A_16 = tpu.matmul %max3A_11, %get3A_14, %dot_general3A_15 {dimension_numbers = #tpu.dot_dimension_numbers<[1], [0], [0], [1], [0, 0, 1, 1], [], []>, transpose_lhs_hint = false} : vector<4096x512xf32>, vector<512x256xf32>, vector<4096x256xf32> -> vector<4096x256xf32>
    %get3A_17 = arith.constant 0 : index
    %get3A_18 = arith.constant 0 : index
    %get3A_19 = vector.load %arg5[%get3A_17, %get3A_18] : memref<1x256xf32, #tpu.memory_space<vmem>>, vector<1x256xf32>
    %add3A_20 = vector.broadcast %get3A_19 : vector<1x256xf32> to vector<4096x256xf32>
    %add3A_21 = arith.addf %dot_general3A_16, %add3A_20 : vector<4096x256xf32>
    %max3A_22 = arith.constant 0.000000e+00 : f32
    %max3A_23 = vector.broadcast %max3A_22 : f32 to vector<4096x256xf32>
    %max3A_24 = arith.maximumf %add3A_21, %max3A_23 : vector<4096x256xf32>
    %get3A_25 = arith.constant 0 : index
    %get3A_26 = arith.constant 0 : index
    %get3A_27 = vector.load %arg6[%get3A_25, %get3A_26] : memref<256x40xf32, #tpu.memory_space<vmem>>, vector<256x40xf32>
    %dot_general3A_28 = arith.constant dense<0.000000e+00> : vector<4096x40xf32>
    %dot_general3A_29 = tpu.matmul %max3A_24, %get3A_27, %dot_general3A_28 {dimension_numbers = #tpu.dot_dimension_numbers<[1], [0], [0], [1], [0, 0, 1, 1], [], []>, transpose_lhs_hint = false} : vector<4096x256xf32>, vector<256x40xf32>, vector<4096x40xf32> -> vector<4096x40xf32>
    %get3A_30 = arith.constant 0 : index
    %get3A_31 = arith.constant 0 : index
    %get3A_32 = vector.load %arg7[%get3A_30, %get3A_31] : memref<1x40xf32, #tpu.memory_space<vmem>>, vector<1x40xf32>
    %add3A_33 = vector.broadcast %get3A_32 : vector<1x40xf32> to vector<4096x40xf32>
    %add3A_34 = arith.addf %dot_general3A_29, %add3A_33 : vector<4096x40xf32>
    %swap3A = arith.constant 0 : index
    %swap3A_35 = arith.constant 0 : index
    %swap3A_36 = vector.load %arg8[%swap3A, %swap3A_35] : memref<4096x40xf32, #tpu.memory_space<vmem>>, vector<4096x40xf32>
    tpu.vector_store %arg8[%swap3A, %swap3A_35], %add3A_34 {strides = array<i32>} : memref<4096x40xf32, #tpu.memory_space<vmem>>, vector<4096x40xf32>,
    return
  }
  func.func @transform_0(%arg0: i32) -> (i32, i32) {
    %c0_i32 = arith.constant 0 : i32
    %c0_i32_0 = arith.constant 0 : i32
    return %arg0, %c0_i32 : i32, i32
  }
  func.func @transform_1(%arg0: i32) -> (i32, i32) {
    %c0_i32 = arith.constant 0 : i32
    %c0_i32_0 = arith.constant 0 : i32
    %c0_i32_1 = arith.constant 0 : i32
    return %c0_i32, %c0_i32_0 : i32, i32
  }
  func.func @transform_2(%arg0: i32) -> (i32, i32) {
    %c0_i32 = arith.constant 0 : i32
    %c0_i32_0 = arith.constant 0 : i32
    %c0_i32_1 = arith.constant 0 : i32
    return %c0_i32, %c0_i32_0 : i32, i32
  }
  func.func @transform_3(%arg0: i32) -> (i32, i32) {
    %c0_i32 = arith.constant 0 : i32
    %c0_i32_0 = arith.constant 0 : i32
    %c0_i32_1 = arith.constant 0 : i32
    return %c0_i32, %c0_i32_0 : i32, i32
  }
  func.func @transform_4(%arg0: i32) -> (i32, i32) {
    %c0_i32 = arith.constant 0 : i32
    %c0_i32_0 = arith.constant 0 : i32
    %c0_i32_1 = arith.constant 0 : i32
    return %c0_i32, %c0_i32_0 : i32, i32
  }
  func.func @transform_5(%arg0: i32) -> (i32, i32) {
    %c0_i32 = arith.constant 0 : i32
    %c0_i32_0 = arith.constant 0 : i32
    %c0_i32_1 = arith.constant 0 : i32
    return %c0_i32, %c0_i32_0 : i32, i32
  }
  func.func @transform_6(%arg0: i32) -> (i32, i32) {
    %c0_i32 = arith.constant 0 : i32
    %c0_i32_0 = arith.constant 0 : i32
    %c0_i32_1 = arith.constant 0 : i32
    return %c0_i32, %c0_i32_0 : i32, i32
  }
  func.func @transform_7(%arg0: i32) -> (i32, i32) {
    %c0_i32 = arith.constant 0 : i32
    %c0_i32_0 = arith.constant 0 : i32
    return %arg0, %c0_i32 : i32, i32
  }
}

</mosaic_0001>

<sc_bundles>
// kernel: kernel.4.cloned.1.call-start
scs
__scs_entry_jumppad:
0x0: {  	(pc) =	sbr.rel $0x88, $3  }
0x1: {  	(tag) =	ssettag $0x0;
	lr =	simm.s32 $0x1  }
0x2: {  	[smem:$0x3F99] =	sst lr;
	_ =	strace $0xD0000000  }
0x3: {  	_ = 	snop  }
0x4: {  	_ = 	snop  }
0x5: {  	_ = 	snop  }
0x6: {  	_ = 	snop  }
0x7: {  	_ = 	snop  }
__scs_overlays_trampoline_lowered:
0x8: {  	[smem:$0x3FA8] =	sst s0  }
0x9: {  	[smem:$0x3FA9] =	sst s1  }
0xa: {  	[smem:$0x3FAA] =	sst s2  }
0xb: {  	[smem:$0x3FAB] =	sst s3  }
0xc: {  	[smem:$0x3FAC] =	sst s4  }
0xd: {  	[smem:$0x3FAD] =	sst s5  }
0xe: {  	[smem:$0x3FAE] =	sst s6  }
0xf: {  	[smem:$0x3FAF] =	sst s7  }
0x10: {  	[smem:$0x3FB0] =	sst s8  }
0x11: {  	[smem:$0x3FB1] =	sst s9;
	s0 =	simm.s32 @!p0 $0x0  }
0x12: {  	s1 =	sld [smem:$0x3F97];
	s0 =	simm.s32 @p0 $0x1  }
0x13: {  	[smem:$0x3FB2] =	sst s0;
	s0 =	simm.s32 @!p1 $0x0  }
0x14: {  	s2 =	sld [smem:$0x3F96];
	s0 =	simm.s32 @p1 $0x1  }
0x15: {  	[smem:$0x3FB3] =	sst s0;
	s0 =	simm.s32 @!p2 $0x0  }
0x16: {  	s3 =	sld [smem:$0x3FDB];
	s0 =	simm.s32 @p2 $0x1  }
0x17: {  	s4 =	simm.s32 $0x1BF5;
	[smem:$0x3FB5] =	sst s0  }
0x18: {  	s0 =	sld [smem:$0x3F98];
	_ =	swait.ge [sflag:s4], $0x0  }
0x19: {  	s7 =	sld [smem:$0x3F99]  }
0x1a: {  	s8 =	sadd.s32 $0xFFFFE003, lr  }
0x1b: {  	s9 =	sadd.s32 $0xFFFFFEF7, lr;
	s5 =	simm.s32 $0xFFFFFFFF;
	p2 =	slt.u32 s8, $0xFFFFF086  }
0x1c: {  	p1 =	slt.u32 s9, $0xF7A;
	s5 =	simm.s32 @!p2 $0x0  }
0x1d: {  	s5 =	simm.s32 @p1 $0x1;
	p0 =	seq.s32 s7, s2  }
0x1e: {  	s7 =	smul.u32 @!p0 $0xF7A, s2;
	p2 =	seq.s32 @!p0 s5, $0x0  }
0x1f: {  	s9 =	smul.u32 $0xF7A, s1;
	s8 =	simm.s32 @!p0 $0x1BF5;
	p2 =	por !p2, p0  }
0x20: {  	[sflag:s8] =	ssyncset.s32 @!p0 $0xFFFFF086;
	s6 =	sadd.s32 @!p0 s3, s7;
	s7 =	simm.s32 @!p0 $0x108  }
0x21: {  	s3 =	sadd.s32 s3, s9;
	s6 =	sadd.s32 @!p0 $0x88, s6;
	s7 =	simm.s32 @p2 $0x1082  }
0x22: {  	[simem:s7], [sflag:s8] =	dma.local @!p0 [hbm:s6], $0xF7A  }
0x23: {  	s9 =	sor.u32 $0xD0000000, s2;
	s6 =	simm.s32 $0x108;
	_ =	swait.ge @!p0 [sflag:s8], $0x0  }
0x24: {  	s3 =	sadd.s32 $0x88, s3;
	s6 =	simm.s32 @!p1 $0x1082;
	[sflag:s4] =	ssyncset.s32 $0xFFFFF086  }
0x25: {  	[simem:s6], [sflag:s4] =	dma.local [hbm:s3], $0xF7A  }
0x26: {  	[smem:$0x3F99] =	sst s1;
	(tag) =	ssettag s2;
	_ =	strace s9  }
0x27: {  	s1 =	sld [smem:$0x3FA9]  }
0x28: {  	s2 =	sld [smem:$0x3FAA]  }
0x29: {  	s4 =	sld [smem:$0x3FAC]  }
0x2a: {  	p0 =	seq.s32 s5, $0x0;
	s5 =	sld [smem:$0x3FAD]  }
0x2b: {  	s6 =	sld [smem:$0x3FAE]  }
0x2c: {  	s7 =	sld [smem:$0x3FAF]  }
0x2d: {  	s3 =	simm.s32 $0x108;
	s8 =	sld [smem:$0x3FB0]  }
0x2e: {  	s3 =	simm.s32 @!p0 $0x1082;
	s9 =	sld [smem:$0x3FB1]  }
0x2f: {  	lr =	sadd.s32 s0, s3;
	s0 =	sld [smem:$0x3FA8]  }
0x30: {  	s3 =	sld [smem:$0x3FAB]  }
0x31: {  	[smem:$0x3FB4] =	sst s10  }
0x32: {  	s10 =	sld [smem:$0x3FB2];
	_ =	sdelay $0x3  }
0x33: {  	p0 =	seq.s32 s10, $0x1;
	s10 =	sld [smem:$0x3FB4];
	_ =	sdelay $0x3  }
0x34: {  	[smem:$0x3FB4] =	sst s10  }
0x35: {  	s10 =	sld [smem:$0x3FB3];
	_ =	sdelay $0x3  }
0x36: {  	p1 =	seq.s32 s10, $0x1;
	s10 =	sld [smem:$0x3FB4];
	_ =	sdelay $0x3  }
0x37: {  	[smem:$0x3FB4] =	sst s10  }
0x38: {  	s10 =	sld [smem:$0x3FB5]  }
0x39: {  	_ = 	snop;
	(pc) =	sbr.ind lr, $3  }
0x3a: {  	_ = 	snop  }
0x3b: {  	_ = 	snop  }
0x3c: {  	p2 =	seq.s32 s10, $0x1;
	s10 =	sld [smem:$0x3FB4]  }
0x3d: {  	_ =	shalt  }
0x3e: {  	_ =	shalt  }
0x3f: {  	_ =	shalt  }
0x40: {  	_ =	shalt  }
0x41: {  	_ =	shalt  }
0x42: {  	_ =	shalt  }
0x43: {  	_ =	shalt  }
0x44: {  	_ =	shalt  }
0x45: {  	_ =	shalt  }
0x46: {  	_ =	shalt  }
0x47: {  	_ =	shalt  }
0x48: {  	_ =	shalt  }
0x49: {  	_ =	shalt  }
0x4a: {  	_ =	shalt  }
0x4b: {  	_ =	shalt  }
0x4c: {  	_ =	shalt  }
0x4d: {  	_ =	shalt  }
0x4e: {  	_ =	shalt  }
0x4f: {  	_ =	shalt  }
0x50: {  	_ =	shalt  }
0x51: {  	_ =	shalt  }
0x52: {  	_ =	shalt  }
0x53: {  	_ =	shalt  }
0x54: {  	_ =	shalt  }
0x55: {  	_ =	shalt  }
0x56: {  	_ =	shalt  }
0x57: {  	_ =	shalt  }
0x58: {  	_ =	shalt  }
0x59: {  	_ =	shalt  }
0x5a: {  	_ =	shalt  }
0x5b: {  	_ =	shalt  }
0x5c: {  	_ =	shalt  }
0x5d: {  	_ =	shalt  }
0x5e: {  	_ =	shalt  }
0x5f: {  	_ =	shalt  }
0x60: {  	_ =	shalt  }
0x61: {  	_ =	shalt  }
0x62: {  	_ =	shalt  }
0x63: {  	_ =	shalt  }
0x64: {  	_ =	shalt  }
0x65: {  	_ =	shalt  }
0x66: {  	_ =	shalt  }
0x67: {  	_ =	shalt  }
0x68: {  	_ =	shalt  }
0x69: {  	_ =	shalt  }
0x6a: {  	_ =	shalt  }
0x6b: {  	_ =	shalt  }
0x6c: {  	_ =	shalt  }
0x6d: {  	_ =	shalt  }
0x6e: {  	_ =	shalt  }
0x6f: {  	_ =	shalt  }
0x70: {  	_ =	shalt  }
0x71: {  	_ =	shalt  }
0x72: {  	_ =	shalt  }
0x73: {  	_ =	shalt  }
0x74: {  	_ =	shalt  }
0x75: {  	_ =	shalt  }
0x76: {  	_ =	shalt  }
0x77: {  	_ =	shalt  }
0x78: {  	_ =	shalt  }
0x79: {  	_ =	shalt  }
0x7a: {  	_ =	shalt  }
0x7b: {  	_ =	shalt  }
0x7c: {  	_ =	shalt  }
0x7d: {  	_ =	shalt  }
0x7e: {  	_ =	shalt  }
0x7f: {  	_ =	shalt  }
0x80: {  	_ =	shalt  }
0x81: {  	_ =	shalt  }
0x82: {  	_ =	shalt  }
0x83: {  	_ =	shalt  }
0x84: {  	_ =	shalt  }
0x85: {  	_ =	shalt  }
0x86: {  	_ =	shalt  }
0x87: {  	_ =	shalt  }
.Lfunc_end0:
.L_simem_size_0:
called_computation_lowered:
.L_overlay_start_0:
0x88: {  	s2 =	sld [smem:$0x3FD9]  }
0x89: {  	s3 =	sld [smem:$0x3FFE];
	_ =	sdelay $0x1  }
0x8a: {  	s1 =	srdreg.scid  }
0x8b: {  	s0 =	sand.u32 $0x1, s1  }
0x8c: {  	s14 =	sshll.u32 s0, $0xA;
	s2 =	sadd.s32 s3, s2  }
0x8d: {  	s2 =	sadd.s32 s2, s14  }
0x8e: {  	[smem:$0x3FC0] =	sst s2  }
0x8f: {  	_ = 	snop  }
0x90: {  	s2 =	sld [smem:$0x3FD0];
	_ =	sdelay $0x2  }
0x91: {  	s4 =	simm.s32 $0xA;
	s5 =	simm.s32 $0x10;
	s15 =	sld [smem:$0x3FC8]  }
0x92: {  	[smem:s5], [sflag:s4] =	dma.local [hbm:s2], $0x1  }
0x93: {  	_ =	swait.eq [sflag:s4], $0x1  }
0x94: {  	[sflag:s4] =	ssyncset.done $0x0  }
0x95: {  	[sflag:s4] =	ssyncadd.s32 $0xFFFFFFFF  }
0x96: {  	s16 =	sld [smem:$0x10];
	(tm) =	ssettm $0x1  }
0x97: {  	s17 =	sld [smem:$0x3FFB];
	_ =	sdelay $0x3  }
0x98: {  	_ =	strace s17  }
0x99: {  	s4 =	sld [smem:$0x3FFC];
	_ =	sdelay $0x3  }
0x9a: {  	_ =	strace s4  }
0x9b: {  	s4 =	sld [smem:$0x3FFD];
	_ =	sdelay $0x3  }
0x9c: {  	_ =	strace s4  }
0x9d: {  	_ =	strace $0x8FFFFFFF  }
0x9e: {  	s18 =	sld [smem:$0x3FDB];
	_ =	sdelay $0x1  }
0x9f: {  	s19 =	simm.s32 $_scs_section_size  }
0xa0: {  	s6 =	simm.s32 $_size__tile_overlayer_lowered;
	s7 =	simm.s32 $_tile_overlayer_lowered  }
0xa1: {  	s22 =	simm.s32 $0x1BFF;
	s21 =	sshll.u32 s7, $0x1;
	s4 =	sadd.s32 s19, s18  }
0xa2: {  	s8 =	simm.s32 $0x0;
	s20 =	sshll.u32 s6, $0x1;
	s6 =	sadd.s32 s21, s4  }
0xa3: {  	[timem:s8], [sflag:s22] =	dma.local [hbm:s6], s20  }
0xa4: {  	_ =	swait.ge [sflag:s22], s20  }
0xa5: {  	s5 =	ssub.s32 $0x0, s20;
	[sflag:s22] =	ssyncset.done $0x0  }
0xa6: {  	[sflag:s22] =	ssyncadd.s32 s5;
	_ =	sdelay $0x1  }
0xa7: {  	s23 =	simm.s32 $0x1B8B  }
0xa8: {  	_ =	swait.ge [sflag:s23], $0x1  }
0xa9: {  	[sflag:s23] =	ssyncset.done $0x0  }
0xaa: {  	s25 =	simm.s32 $0x1B8E;
	s24 =	sld [smem:$0x3FFE];
	[sflag:s23] =	ssyncadd.s32 $0xFFFFFFFF  }
0xab: {  	s26 =	simm.s32 $execute0_lowered;
	[smem:$0x3FD2] =	sst s25  }
0xac: {  	s6 =	sshll.u32 s26, $0x1;
	_ =	strace $0x80000046;
	[dreg:$0x1] =	wrdreg $0xFFFFFFFF  }
0xad: {  	s28 =	simm.s32 $_size_execute0_lowered;
	s4 =	sadd.s32 s4, s6;
	[dreg:$0x0] =	wrdreg $0x0  }
0xae: {  	s6 =	sshll.u32 s28, $0x1;
	[dreg:$0x2] =	wrdreg s4  }
0xaf: {  	[dreg:$0x3] =	wrdreg s6  }
0xb0: {  	[dreg:$0x4] =	wrdreg $0xC0  }
0xb1: {  	_ =	task [dreg:s8], $0x5FFFF  }
0xb2: {  	[dreg:$0x1] =	wrdreg $0xFFFFFFFF  }
0xb3: {  	[dreg:$0x0] =	wrdreg $0x60  }
0xb4: {  	[dreg:$0x2] =	wrdreg s15  }
0xb5: {  	[dreg:$0x3] =	wrdreg s16  }
0xb6: {  	[dreg:$0x4] =	wrdreg s24  }
0xb7: {  	[dreg:$0x5] =	wrdreg $0x9  }
0xb8: {  	_ =	task.clear_ibuf [dreg:s8], $0x6FFFF;
	_ =	strace $0x90000046  }
0xb9: {  	s29 =	simm.s32 $0x9;
	_ =	strace $0x80000048  }
0xba: {  	_ =	swait.ge [sflag:s29], $0x1  }
0xbb: {  	[sflag:s29] =	ssyncadd.s32 $0xFFFFFFFF  }
0xbc: {  	_ =	strace $0x90000048  }
0xbd: {  	_ =	sfence  }
0xbe: {  	s30 =	sld [smem:$0x0];
	_ =	sdelay $0x2  }
0xbf: {  	s31 =	sshll.u32 s1, $0xD;
	s1 =	sshrl.u32 s1, $0x2  }
0xc0: {  	s3 =	sand.u32 $0x4000, s31;
	s1 =	sadd.s32 s1, s30  }
0xc1: {  	s0 =	sor.u32 s3, s0;
	s1 =	sshll.u32 s1, $0x11  }
0xc2: {  	s0 =	sor.u32 s1, s0  }
0xc3: {  	s0 =	sadd.s32 $0x8F2B, s0  }
0xc4: {  	[sflag:s0] =	ssyncadd.remote.s32 $0x1  }
0xc5: {  	_ =	sfence.sel $0xFFFF  }
0xc6: {  	[dreg:$0x0] =	wrdreg $0xFFFFFFFF;
	(pc) =	sbr.abs _section_cstart, $3  }
0xc7: {  	[dreg:$0x1] =	wrdreg $0xFFFFFFFF  }
0xc8: {  	_ =	task.clear_ibuf [dreg:s8], $0x2FFFF;
	_ =	strace $0x9FFFFFFF  }
0xc9: {  	(tm) =	ssettm $0x7FFFFFFF  }
tec
execute0_lowered:
.L_overlay_start_1:
0x0: {  	(tag) =	ssettag $0x1  }
0x1: {  	s1 =	rddreg [dreg:$0x0]  }
0x2: {  	s2 =	rddreg [dreg:$0x1]  }
0x3: {  	s7 =	rddreg [dreg:$0x2]  }
0x4: {  	s0 =	rddreg [dreg:$0x3];
	s4 =	simm.s32 $0x0  }
0x5: {  	s5 =	srdreg.scid;
	s3 =	stileid.u32;
	s11 =	simm.s32 $0x180  }
0x6: {  	s13 =	simm.s32 $0x5180;
	s14 =	simm.s32 $0x5200;
	s15 =	simm.s32 $0x0  }
0x7: {  	[smem:$0x7FF] =	sst s4;
	s5 =	sand.u32 $0x1, s5;
	s6 =	sadd.s32 $0x1000, s7  }
.Ltmp0:
0x8: {  	s8 =	sshll.u32 s3, $0x4;
	s12 =	sshll.u32 s3, $0x6;
	(pc) =	sbr.rel .LBB2_1-.Ltmp0, $4  }
0x9: {  	_ =	strace $0x80000047;
	s9 =	ssub.s32 $0x2, s5;
	s7 =	sadd.s32 s8, s7  }
0xa: {  	s10 =	sshll.u32 s5, $0x8;
	s12 =	sshrl.u32 s12, $0x2;
	s31 =	sshrl.u32 s9, $0x1  }
0xb: {  	v0 =	vlaneseq.u32;
	v1 =	vimm.f32 $0.0e+00;
	s7 =	sadd.s32 s10, s7;
	s10 =	simm.s32 $0x80;
	s8 =	ssub.s32 s9, s31  }
0xc: {  	v2 =	vadd.s32 $0x28, v0;
	v3 =	vadd.s32 $0x38, v0;
	v4 =	vadd.s32 $0x48, v0;
	s7 =	sadd.s32 $0x15000, s7;
	s9 =	simm.s32 $0x1;
	s8 =	smax.u32 s8, $0x1  }
.LBB2_9:
0xd: {  	_ =	sdelay $0x1  }
0xe: {  	[tilespmem:$0x51D0] =	vst v1  }
0xf: {  	v7 =	vld [tilespmem:s12+$0x80]  }
0x10: {  	v9 =	vld.idx.msk [tilespmem:v2+s13+$0x0], $0xffff  }
0x11: {  	v10 =	vld.idx.msk [tilespmem:v3+s13+$0x0], $0xffff  }
0x12: {  	v11 =	vld.idx.msk [tilespmem:v4+s13+$0x0], $0xffff;
	_ =	sdelay $0x2  }
0x13: {  	v5 =	vadd.f32 v9, v5  }
0x14: {  	v6 =	vadd.f32 v10, v6  }
0x15: {  	v8 =	vadd.f32 v11, v8;
	v5 =	vmul.f32 v5, v7  }
0x16: {  	v6 =	vmul.f32 v6, v7  }
0x17: {  	s15 =	sadd.s32 $0x1, s15;
	[tilespmem:$0x5200] =	vst v5;
	v5 =	vmul.f32 v8, v7  }
0x18: {  	p0 =	sne.s32 s15, s8;
	[tilespmem:$0x5210] =	vst v6  }
.Ltmp1:
0x19: {  	[tilespmem:$0x5220] =	vst v5;
	(pc) =	sbr.rel @!p0 .LBB2_10-.Ltmp1, $4  }
0x1a: {  	[hbm4b:s7+s4] =	stream.linear.scatter [tilespmem:s14], [sflag:$0x1], $0x80, $0x38;
	[tilespmem:$0x5280] =	vst v63  }
0x1b: {  	_ =	swait.ge [sflag:s9], $0x80  }
0x1c: {  	[sflag:s9] =	ssyncset.done $0x0  }
0x1d: {  	[sflag:s9] =	ssyncadd.s32 $0xFFFFFF80  }
.LBB2_1:
0x1e: {  	[tilespmem:s4], [sflag:$0x1] =	stream.linear.gather [hbm4b:s1+s4], $0x11, $0x38;
	[tilespmem:$0x5280] =	vst v63  }
0x1f: {  	_ =	swait.ge [sflag:s9], $0x11  }
0x20: {  	[sflag:s9] =	ssyncset.done $0x0  }
0x21: {  	[sflag:s9] =	ssyncadd.s32 $0xFFFFFFEF  }
0x22: {  	[tilespmem:s10], [sflag:$0x1] =	stream.linear.gather [hbm4b:s2+s4], $0x100, $0x38;
	[tilespmem:$0x5280] =	vst v63  }
0x23: {  	_ =	swait.ge [sflag:s9], $0x100  }
0x24: {  	[sflag:s9] =	ssyncset.done $0x0  }
0x25: {  	[sflag:s9] =	ssyncadd.s32 $0xFFFFFF00  }
0x26: {  	v5 =	vld [tilespmem:s3+$0x0]  }
0x27: {  	v6 =	vld [tilespmem:s3+$0x1];
	_ =	sdelay $0x3  }
0x28: {  	(v2sf) =	vpush v5, $0x0  }
0x29: {  	(v2sf) =	vpush v6, $0x0;
	_ =	sdelay $0xd  }
0x2a: {  	s16 =	spop (v2sf)  }
0x2b: {  	s17 =	spop (v2sf)  }
0x2c: {  	s18 =	ssub.s32 s17, s16  }
0x2d: {  	s19 =	sadd.s32 $0x1, s18;
	p0 =	slt.u32 s18, $0x7FFFFFFF;
	s18 =	simm.s32 $0x1  }
0x2e: {  	s18 =	simm.s32 @!p0 $0x0;
	s20 =	sshra.s32 s19, $0x1F  }
0x2f: {  	s26 =	sand.u32 $0x1, s19;
	s18 =	sadd.s32 s18, s20  }
0x30: {  	p1 =	seq.s32 s26, $0x1;
	p4 =	sne.s32 s18, $0x1  }
0x31: {  	s28 =	sshrl.u32 s19, $0x1F;
	p0 =	por !p4, !p1  }
0x32: {  	s18 =	sadd.s32 s28, s19;
	s19 =	simm.s32 $0x1;
	p0 =	por !p0, !p0  }
0x33: {  	s18 =	sshra.s32 s18, $0x1;
	s19 =	simm.s32 @!p0 $0x0  }
0x34: {  	s18 =	ssub.s32 s18, s19  }
0x35: {  	s19 =	smul.u32 s5, s18;
	_ =	sdelay $0x1  }
0x36: {  	s16 =	sadd.s32 s16, s19  }
0x37: {  	s18 =	sadd.s32 s18, s16  }
0x38: {  	p0 =	slt.s32 s17, s18  }
0x39: {  	s16 =	smul.u32 $0x28, s16;
	s18 =	smov.u32 @p0 s17  }
0x3a: {  	s17 =	smul.u32 $0x28, s18;
	_ =	sdelay $0x1  }
0x3b: {  	s18 =	ssub.s32 s17, s16  }
0x3c: {  	s29 =	smulhi.u32 $0x66666667, s18;
	s30 =	sshra.s32 s18, $0x1F  }
0x3d: {  	s21 =	smul.u32 $0x66666667, s30;
	_ =	sdelay $0x1  }
0x3e: {  	s19 =	sadd.s32 s21, s29  }
0x3f: {  	s21 =	sshrl.u32 s19, $0x1F;
	s19 =	sshra.s32 s19, $0xD  }
0x40: {  	p0 =	sne.s32 s17, s16;
	s19 =	sadd.s32 s21, s19;
	s21 =	simm.s32 $0x1  }
0x41: {  	s21 =	simm.s32 @!p0 $0x0;
	s22 =	smul.u32 $0xFFFFB000, s19  }
0x42: {  	s31 =	ssub.s32 $0x0, s18;
	s20 =	sor.u32 s21, s30  }
0x43: {  	p5 =	sne.s32 s20, $0x1;
	p6 =	sne.s32 s22, s31  }
0x44: {  	p0 =	por !p6, !p5  }
0x45: {  	s20 =	simm.s32 $0x1;
	p0 =	por !p0, !p0  }
0x46: {  	s20 =	simm.s32 @!p0 $0x0  }
0x47: {  	s19 =	ssub.s32 s19, s20  }
0x48: {  	p0 =	slt.s32 s19, $0x1  }
.Ltmp2:
0x49: {  	_ = 	snop;
	(pc) =	sbr.rel @p0 .LBB2_5-.Ltmp2, $3  }
0x4a: {  	_ =	sdelay $0x1  }
0x4b: {  	v7 =	vimm.f32 $0.0e+00;
	v9 =	vimm.f32 $0.0e+00  }
0x4c: {  	v8 =	vimm.f32 $0.0e+00;
	v5 =	vimm.f32 $0.0e+00;
	v6 =	vimm.f32 $0.0e+00;
	s20 =	simm.s32 $0x0  }
.LBB2_2:
0x4d: {  	s21 =	smul.u32 $0x5000, s20;
	_ =	sdelay $0x1  }
0x4e: {  	s21 =	sadd.s32 s16, s21  }
0x4f: {  	s21 =	sshrl.u32 s21, $0x3  }
0x50: {  	s22 =	simm.s32 $0x0;
	s21 =	sadd.s32 s6, s21  }
0x51: {  	[tilespmem:s11], [sflag:$0x1] =	stream.linear.gather [hbm4b:s21+s22], $0x5000, $0x38;
	[tilespmem:$0x5280] =	vst v63  }
0x52: {  	_ =	swait.ge [sflag:s9], $0x5000  }
0x53: {  	[sflag:s9] =	ssyncset.done $0x0  }
0x54: {  	s31 =	simm.s32 $0x0;
	[sflag:s9] =	ssyncadd.s32 $0xFFFFB000  }
0x55: {  	v14 =	vld [tilespmem:s31+$0x1C0]  }
0x56: {  	v11 =	vld [tilespmem:s31+$0x180]  }
0x57: {  	v12 =	vld [tilespmem:s31+$0x190]  }
0x58: {  	v10 =	vld [tilespmem:s31+$0x1A0]  }
0x59: {  	s21 =	simm.s32 $0x140;
	v13 =	vld [tilespmem:s31+$0x1B0]  }
.LBB2_3:
0x5a: {  	s22 =	sshra.s32 s21, $0x2;
	p0 =	sne.s32 s21, $0x13EC0;
	s21 =	sadd.s32 $0x140, s21;
	v7 =	vadd.f32 v14, v7  }
.Ltmp3:
0x5b: {  	v14 =	vld [tilespmem:s22+$0x1C0];
	v5 =	vadd.f32 v11, v5;
	(pc) =	sbr.rel @p0 .LBB2_3-.Ltmp3, $4  }
0x5c: {  	v11 =	vld [tilespmem:s22+$0x180];
	v6 =	vadd.f32 v12, v6  }
0x5d: {  	v12 =	vld [tilespmem:s22+$0x190];
	v8 =	vadd.f32 v10, v8  }
0x5e: {  	v10 =	vld [tilespmem:s22+$0x1A0];
	v9 =	vadd.f32 v13, v9  }
0x5f: {  	v13 =	vld [tilespmem:s22+$0x1B0]  }
0x60: {  	s20 =	sadd.s32 $0x1, s20  }
0x61: {  	p0 =	sne.s32 s20, s19  }
.Ltmp4:
0x62: {  	_ = 	snop;
	(pc) =	sbr.rel @p0 .LBB2_2-.Ltmp4, $4  }
0x63: {  	_ = 	snop  }
0x64: {  	v7 =	vadd.f32 v14, v7  }
0x65: {  	v5 =	vadd.f32 v11, v5;
	v6 =	vadd.f32 v12, v6  }
0x66: {  	v8 =	vadd.f32 v10, v8;
	v9 =	vadd.f32 v13, v9  }
.LBB2_5:
0x67: {  	s19 =	smul.u32 $0x5000, s19;
	_ =	sdelay $0x1  }
0x68: {  	s18 =	ssub.s32 s18, s19  }
0x69: {  	p0 =	slt.s32 s18, $0x1  }
.Ltmp5:
0x6a: {  	[tilespmem:$0x5180] =	vst v5;
	(pc) =	sbr.rel @p0 .LBB2_9-.Ltmp5, $4  }
0x6b: {  	[tilespmem:$0x5190] =	vst v6  }
0x6c: {  	[tilespmem:$0x51C0] =	vst v7  }
0x6d: {  	[tilespmem:$0x51A0] =	vst v8  }
0x6e: {  	[tilespmem:$0x51B0] =	vst v9  }
0x6f: {  	s18 =	sadd.s32 s16, s19  }
0x70: {  	p0 =	slt.s32 s18, $0x9B000;
	s16 =	smov.u32 s18  }
0x71: {  	s16 =	simm.s32 @!p0 $0x9B000  }
0x72: {  	s24 =	sshrl.u32 s16, $0x3  }
0x73: {  	s20 =	simm.s32 $0x0;
	s19 =	sadd.s32 s6, s24  }
0x74: {  	[tilespmem:s11], [sflag:$0x1] =	stream.linear.gather [hbm4b:s19+s20], $0x5000, $0x38;
	[tilespmem:$0x5280] =	vst v63  }
0x75: {  	_ =	swait.ge [sflag:s9], $0x5000  }
0x76: {  	[sflag:s9] =	ssyncset.done $0x0  }
0x77: {  	[sflag:s9] =	ssyncadd.s32 $0xFFFFB000  }
0x78: {  	v8 =	vld [tilespmem:$0x5180]  }
0x79: {  	s25 =	simm.s32 $0x1A0;
	v14 =	vld [tilespmem:$0x5190]  }
0x7a: {  	v7 =	vld [tilespmem:s25+$0x20]  }
0x7b: {  	s26 =	sadd.s32 $0x0, s16;
	v9 =	vld [tilespmem:$0x51C0]  }
0x7c: {  	v5 =	vmov s17;
	v6 =	vmov s18;
	v10 =	vadd.s32 s26, v0;
	s28 =	sadd.s32 $0x10, s26;
	s29 =	sadd.s32 $0x40, s26;
	v13 =	vld [tilespmem:s25+$0xFFFFFFE0]  }
0x7d: {  	s30 =	sadd.s32 $0x20, s26;
	vm0 =	vge.s32 v10, v6;
	v11 =	vadd.s32 s28, v0;
	v12 =	vadd.s32 s29, v0;
	v15 =	vld [tilespmem:s25+$0xFFFFFFF0]  }
0x7e: {  	s31 =	sadd.s32 $0x30, s26;
	v16 =	vadd.s32 s30, v0;
	vm6 =	vlt.s32 v10, v5;
	vm1 =	vge.s32 v12, v6;
	v17 =	vld [tilespmem:s25+$0x0]  }
0x7f: {  	vm2 =	vlt.s32 v12, v5;
	vm3 =	vge.s32 v11, v6;
	v12 =	vadd.s32 s31, v0;
	v18 =	vld [tilespmem:s25+$0x10]  }
0x80: {  	vm13 =	vlt.s32 v11, v5;
	vm4 =	vge.s32 v16, v6;
	vm14 =	vlt.s32 v16, v5;
	v11 =	vld [tilespmem:$0x51A0]  }
0x81: {  	vm0 =	vmand vm0, vm6;
	vm5 =	vge.s32 v12, v6;
	vm15 =	vlt.s32 v12, v5;
	v12 =	vld [tilespmem:$0x51B0]  }
0x82: {  	vm1 =	vmand vm1, vm2;
	vm2 =	vmand vm3, vm13;
	vm3 =	vmand vm5, vm15  }
0x83: {  	v7 =	vnsel vm1, $0x0, v7;
	vm1 =	vmand vm4, vm14;
	v15 =	vnsel vm2, $0x0, v15  }
0x84: {  	s17 =	simm.s32 $0x1F0;
	v7 =	vadd.f32 v7, v9;
	v9 =	vnsel vm0, $0x0, v13;
	v13 =	vnsel vm1, $0x0, v17  }
0x85: {  	s18 =	simm.s32 $0xA0;
	s19 =	sadd.s32 $0x50, s16;
	v10 =	vld [tilespmem:s17+$0x20];
	v9 =	vadd.f32 v9, v8;
	v8 =	vadd.f32 v15, v14;
	v14 =	vnsel vm3, $0x0, v18  }
.LBB2_7:
0x86: {  	p0 =	sne.s32 s18, $0x4FB0;
	v15 =	vadd.s32 s19, v0;
	v16 =	vld [tilespmem:s17+$0xFFFFFFE0];
	s20 =	sadd.s32 $0x10, s19;
	s21 =	sadd.s32 $0x40, s19;
	v11 =	vadd.f32 v13, v11;
	v12 =	vadd.f32 v14, v12  }
0x87: {  	vm0 =	vge.s32 v15, v6;
	v13 =	vadd.s32 s20, v0;
	v14 =	vld [tilespmem:s17+$0xFFFFFFF0];
	s20 =	sadd.s32 $0x20, s19;
	s19 =	sadd.s32 $0x30, s19;
	v17 =	vadd.s32 s21, v0  }
0x88: {  	v18 =	vadd.s32 s20, v0;
	v19 =	vld [tilespmem:s17+$0x0];
	vm1 =	vge.s32 v17, v6;
	vm2 =	vlt.s32 v17, v5  }
0x89: {  	vm3 =	vge.s32 v13, v6;
	v17 =	vadd.s32 s19, v0;
	v20 =	vld [tilespmem:s17+$0x10];
	vm1 =	vmand vm1, vm2  }
0x8a: {  	vm2 =	vlt.s32 v13, v5;
	vm4 =	vge.s32 v18, v6;
	v10 =	vnsel vm1, $0x0, v10  }
.Ltmp6:
0x8b: {  	vm5 =	vge.s32 v17, v6;
	vm1 =	vlt.s32 v18, v5;
	v7 =	vadd.f32 v10, v7;
	(pc) =	sbr.rel @p0 .LBB2_7-.Ltmp6, $4  }
0x8c: {  	vm6 =	vlt.s32 v15, v5;
	vm2 =	vmand vm3, vm2;
	vm3 =	vlt.s32 v17, v5  }
0x8d: {  	vm0 =	vmand vm0, vm6;
	vm1 =	vmand vm4, vm1;
	vm3 =	vmand vm5, vm3  }
0x8e: {  	s17 =	sadd.s32 $0x50, s17;
	v15 =	vnsel vm0, $0x0, v16;
	v14 =	vnsel vm2, $0x0, v14;
	v13 =	vnsel vm1, $0x0, v19  }
0x8f: {  	s19 =	sadd.s32 s18, s16;
	s18 =	sadd.s32 $0x50, s18;
	v9 =	vadd.f32 v15, v9;
	v8 =	vadd.f32 v14, v8;
	v14 =	vnsel vm3, $0x0, v20;
	v10 =	vld [tilespmem:s17+$0x20]  }
0x90: {  	v15 =	vadd.s32 s19, v0;
	s16 =	sadd.s32 $0x40, s19;
	v11 =	vadd.f32 v13, v11  }
0x91: {  	v58 =	vld [tilespmem:s17+$0xFFFFFFE0];
	s18 =	sadd.s32 $0x10, s19;
	v12 =	vadd.f32 v14, v12;
	s30 =	sadd.s32 $0x20, s19;
	s31 =	sadd.s32 $0x30, s19;
	vm0 =	vge.s32 v15, v6;
	v59 =	vadd.s32 s16, v0  }
0x92: {  	v17 =	vld [tilespmem:s17+$0xFFFFFFF0];
	v16 =	vadd.s32 s18, v0;
	v18 =	vadd.s32 s30, v0;
	v60 =	vadd.s32 s31, v0  }
0x93: {  	v19 =	vld [tilespmem:s17+$0x0];
	vm5 =	vlt.s32 v15, v5;
	vm1 =	vge.s32 v59, v6;
	vm2 =	vlt.s32 v59, v5  }
0x94: {  	v61 =	vld [tilespmem:s17+$0x10];
	vm3 =	vge.s32 v16, v6;
	vm4 =	vlt.s32 v16, v5;
	vm13 =	vge.s32 v18, v6  }
0x95: {  	vm6 =	vlt.s32 v18, v5;
	vm0 =	vmand vm0, vm5;
	vm14 =	vge.s32 v60, v6  }
0x96: {  	vm15 =	vlt.s32 v60, v5;
	vm3 =	vmand vm3, vm4;
	v6 =	vnsel vm0, $0x0, v58  }
0x97: {  	vm4 =	vmand vm13, vm6;
	v62 =	vnsel vm3, $0x0, v17;
	v5 =	vadd.f32 v6, v9  }
0x98: {  	vm0 =	vmand vm14, vm15;
	v9 =	vnsel vm4, $0x0, v19;
	v6 =	vadd.f32 v62, v8  }
.Ltmp7:
0x99: {  	vm1 =	vmand vm1, vm2;
	v63 =	vnsel vm0, $0x0, v61;
	v8 =	vadd.f32 v9, v11;
	[tilespmem:$0x5180] =	vst v5;
	(pc) =	sbr.rel .LBB2_9-.Ltmp7, $4  }
0x9a: {  	v9 =	vnsel vm1, $0x0, v10;
	v10 =	vadd.f32 v63, v12;
	[tilespmem:$0x5190] =	vst v6  }
0x9b: {  	v7 =	vadd.f32 v9, v7;
	[tilespmem:$0x51A0] =	vst v8  }
0x9c: {  	[tilespmem:$0x51B0] =	vst v10  }
0x9d: {  	[tilespmem:$0x51C0] =	vst v7  }
.LBB2_10:
0x9e: {  	_ =	sfence.sel $0x180000  }
0x9f: {  	[bflag:$0x0] =	sbarrier.arrive $0xFFFF  }
0xa0: {  	p0 =	sne.s32 s3, $0x0;
	_ =	strace $0x90000047  }
0xa1: {  	s0 =	sadd.s32 @!p0 $0x100000, s0;
	[bflag:$0x2] =	sbarrier.arrive $0xFFFF  }
0xa2: {  	[sflag:s0] =	ssyncadd.tile.s32 @!p0 $0x1;
	_ =	shalt  }
.Lfunc_end2:
_tile_overlayer_lowered:
.L_overlay_start_2:
0xa3: {  	(tag) =	ssettag $0x2  }
0xa4: {  	s0 =	rddreg [dreg:$0x0];
	s2 =	stileid.u32  }
0xa5: {  	s1 =	rddreg [dreg:$0x1];
	p0 =	sne.s32 s2, $0x0  }
0xa6: {  	s3 =	rddreg [dreg:$0x2];
	[bflag:$0x3] =	sbarrier.arrive $0xFFFF;
	s2 =	simm.s32 @!p0 $0x1C02  }
0xa7: {  	[timem:s3], [sflag:s2] =	dma.local @!p0 [hbm:s0], s1  }
0xa8: {  	s0 =	simm.s32 @!p0 $0x2  }
0xa9: {  	_ =	swait.ge @!p0 [sflag:s0], s1  }
0xaa: {  	s1 =	ssub.s32 @!p0 $0x0, s1;
	[sflag:s0] =	ssyncset.done @!p0 $0x0  }
0xab: {  	[sflag:s0] =	ssyncadd.s32 @!p0 s1  }
0xac: {  	[bflag:$0x3] =	sbarrier.arrive $0xFFFF  }
0xad: {  	_ =	shalt  }

</sc_bundles>
